<compile_context>
chip_gen: v7x
topology: tpu7x:2x2x1
jax: 0.10.2.dev20260603
libtpu: 0.0.44.dev20260713+nightly
codegen_flags: <defaults>
</compile_context>

<pallas_src>
import functools

import jax
import jax.numpy as jnp
from jax import lax
from jax.experimental import pallas as pl
from jax.experimental.pallas import tpu as pltpu
from jax.experimental.pallas import tpu_sc as plsc

B, N, M, C, NB, L = 4, 2048, 48, 32, 16, 2
RC = 5.0
E = B * N * M
BN = B * N
TN = 128
TNM = TN * M
NBLK = BN // TN
ER = E // 128
GR = ER // NBLK
NG = NB + 4

NC, NS = 2, 16
NW = NC * NS
PW = E // NW
G = 128
CH = PW // G


def _sc_mesh():
    return plsc.VectorSubcoreMesh(core_axis_name="c", subcore_axis_name="s")


def _make_static_gather():

    @functools.partial(
        pl.kernel,
        mesh=_sc_mesh(),
        out_type=jax.ShapeDtypeStruct((4, E), jnp.float32),
        compiler_params=pltpu.CompilerParams(needs_layout_passes=False),
        scratch_types=[
            pltpu.VMEM((4 * BN,), jnp.float32),
            pltpu.VMEM((PW,), jnp.int32),
            pltpu.VMEM((4, PW), jnp.float32),
            pltpu.SemaphoreType.DMA,
        ],
    )
    def static_gather(tab_hbm, idx_hbm, out_hbm, tab_v, idx_v, out_v, sem):
        wid = lax.axis_index("s") * NC + lax.axis_index("c")
        base = wid * PW
        pltpu.sync_copy(tab_hbm, tab_v)
        pltpu.sync_copy(idx_hbm.at[pl.ds(base, PW)], idx_v)

        def body(i, carry):
            iv = idx_v[pl.ds(i * 16, 16)]
            for p in range(4):
                out_v[p, pl.ds(i * 16, 16)] = plsc.load_gather(
                    tab_v, [iv + p * BN])
            return carry

        lax.fori_loop(0, PW // 16, body, 0)
        for p in range(4):
            pltpu.sync_copy(out_v.at[p], out_hbm.at[p, pl.ds(base, PW)])

    return static_gather


def _make_row_gather(D, ne):
    pwl = ne // NW
    chl = pwl // G

    @functools.partial(
        pl.kernel,
        mesh=_sc_mesh(),
        out_type=jax.ShapeDtypeStruct((ne, D), jnp.float32),
        compiler_params=pltpu.CompilerParams(use_tc_tiling_on_sc=False),
        scratch_types=[
            pltpu.VMEM((chl, G), jnp.int32),
            pltpu.VMEM((G, D), jnp.float32),
            pltpu.SemaphoreType.DMA,
        ],
    )
    def row_gather(table_hbm, idx_hbm, out_hbm, idx_v, rows_v, sem):
        wid = lax.axis_index("s") * NC + lax.axis_index("c")
        base = wid * pwl
        pltpu.sync_copy(idx_hbm.at[wid], idx_v)

        def body(j, carry):
            pltpu.async_copy(table_hbm.at[idx_v.at[j]], rows_v, sem).wait()
            pltpu.sync_copy(rows_v, out_hbm.at[pl.ds(base + j * G, G)])
            return carry

        lax.fori_loop(0, chl, body, 0)

    return row_gather


_sc_cache = {}


def _get_sc(name):
    if name not in _sc_cache:
        _sc_cache[name] = (_make_static_gather() if name == "static"
                           else _make_row_gather(4 * C, E // 2))
    return _sc_cache[name]


def _silu(x):
    return x * (1.0 / (1.0 + jnp.exp(-x)))


def _geo_kernel(e4_ref, cen_ref, mask_ref, geo_ref):
    rx = e4_ref[0] - cen_ref[0]
    ry = e4_ref[1] - cen_ref[1]
    rz = e4_ref[2] - cen_ref[2]
    d = jnp.sqrt(rx * rx + ry * ry + rz * rz + 1e-12)
    inv = 1.0 / d
    geo_ref[0] = rx * inv
    geo_ref[1] = ry * inv
    geo_ref[2] = rz * inv
    dc = jnp.clip(d, 0.0, RC)
    env = 0.5 * (jnp.cos(dc * (jnp.pi / RC)) + 1.0) * (d < RC).astype(jnp.float32)
    maskf = mask_ref[0] * env
    geo_ref[NB + 3] = maskf
    th = d * (jnp.pi / RC)
    sinv = inv * maskf
    for k in range(NB):
        geo_ref[3 + k] = jnp.sin((k + 1.0) * th) * sinv


def _seg_sum128(x):
    return jnp.sum(x.reshape(TN, M, 4 * C), axis=1)


_TDN = (((0,), (0,)), ((), ()))


def _layer0_kernel(geo_ref, zj_ref, zc_ref, emb4_ref, cls_ref, p4_ref,
                   wrb_ref, w0_ref, u0_ref, b0_ref,
                   w1_ref, wg_ref, bg_ref, hc_ref):
    bf = jnp.bfloat16
    g = geo_ref[...]
    filt = jnp.dot(g[3:3 + NB + 1].astype(bf).T, wrb_ref[...].astype(bf),
                   preferred_element_type=jnp.float32)
    oh = (cls_ref[...] == zj_ref[...]).astype(bf)
    h0j4 = jnp.dot(oh, emb4_ref[...].astype(bf),
                   preferred_element_type=jnp.float32)
    uaug = jnp.concatenate(
        [jnp.ones((1, TNM), bf), g[0:3].astype(bf)], axis=0)
    v = jnp.dot(uaug.T, p4_ref[...].astype(bf),
                preferred_element_type=jnp.float32)
    s = filt * h0j4 * v
    ss = _seg_sum128(s)
    m0 = ss[:, 0:C]
    m1_0 = ss[:, C:2 * C]
    m1_1 = ss[:, 2 * C:3 * C]
    m1_2 = ss[:, 3 * C:4 * C]

    ohc = (cls_ref[...][0:TN] == zc_ref[...]).astype(jnp.float32)
    h0c = jnp.dot(ohc, emb4_ref[...][:, 0:C],
                  preferred_element_type=jnp.float32)
    h0n = _silu(jnp.dot(m0, w0_ref[...], preferred_element_type=jnp.float32)
                + jnp.dot(h0c, u0_ref[...], preferred_element_type=jnp.float32)
                + b0_ref[...])
    gate = _silu(jnp.dot(m0, wg_ref[...], preferred_element_type=jnp.float32)
                 + bg_ref[...])
    w1 = w1_ref[...]
    h1n_0 = jnp.dot(m1_0, w1, preferred_element_type=jnp.float32) * gate
    h1n_1 = jnp.dot(m1_1, w1, preferred_element_type=jnp.float32) * gate
    h1n_2 = jnp.dot(m1_2, w1, preferred_element_type=jnp.float32) * gate
    hc_ref[...] = jnp.concatenate([h0n, h1n_0, h1n_1, h1n_2], axis=1)


def _layer1_kernel(geo_ref, hcj_ref, hc_ref, p4_ref,
                   wra_ref, w0_ref, u0_ref, b0_ref,
                   wro_ref, out_ref):
    bf = jnp.bfloat16
    g = geo_ref[...]
    filt = jnp.dot(g[3:3 + NB + 1].astype(bf).T, wra_ref[...].astype(bf),
                   preferred_element_type=jnp.float32)
    uaug = jnp.concatenate(
        [jnp.ones((1, TNM), bf), g[0:3].astype(bf)], axis=0)
    v = jnp.dot(uaug.T, p4_ref[...].astype(bf),
                preferred_element_type=jnp.float32)
    s = filt * hcj_ref[...] * v
    ss = _seg_sum128(s)
    m0 = (ss[:, 0:C] + ss[:, C:2 * C]
          + ss[:, 2 * C:3 * C] + ss[:, 3 * C:4 * C])

    h0c = hc_ref[...][:, 0:C]
    h0n = _silu(jnp.dot(m0, w0_ref[...], preferred_element_type=jnp.float32)
                + jnp.dot(h0c, u0_ref[...], preferred_element_type=jnp.float32)
                + b0_ref[...])
    out_ref[...] = jnp.dot(h0n, wro_ref[...], preferred_element_type=jnp.float32)


def _edge_spec(d):
    return pl.BlockSpec((TNM, d), lambda i: (i, 0))


def _atom_spec(d):
    return pl.BlockSpec((TN, d), lambda i: (i, 0))


def _full_spec(r, c):
    return pl.BlockSpec((r, c), lambda i: (0, 0))


def _plane_spec(p):
    return pl.BlockSpec((p, GR, 128), lambda i: (0, i, 0))


@jax.jit
def kernel(coordinate, atomic_number, neighbor, mask, emb_table, Wr, br,
           W0, U0, b0, W1, U1, Wg, bg, Wro, bro):
    f32 = jnp.float32
    coord2 = coordinate.reshape(BN, 3)
    zf = atomic_number.astype(f32).reshape(BN, 1)
    planes4 = jnp.concatenate([coord2.T, zf.T], axis=0).reshape(4 * BN)
    fidx_flat = (neighbor.astype(jnp.int32)
                 + (jnp.arange(B, dtype=jnp.int32) * N).reshape(B, 1, 1)
                 ).reshape(E)
    emb4 = jnp.concatenate([emb_table] * 4, axis=1)
    cls_row = jnp.arange(100, dtype=f32).reshape(1, 100)
    p4 = jnp.kron(jnp.eye(4, dtype=f32), jnp.ones((1, C), f32))
    wr_aug = jnp.concatenate([Wr, br[:, None, :]], axis=1)
    wrb = jnp.concatenate([wr_aug[0, :, 0:C]]
                          + [wr_aug[0, :, C:2 * C]] * 3, axis=1)
    wra = jnp.concatenate([wr_aug[1, :, 0:C]]
                          + [wr_aug[1, :, 2 * C:3 * C]] * 3, axis=1)

    e4 = _get_sc("static")(planes4, fidx_flat)

    cenT = jnp.repeat(coord2.T, M, axis=1)
    maskT = mask.astype(f32).reshape(1, E)
    geo_pl = pl.pallas_call(
        _geo_kernel,
        grid=(NBLK,),
        in_specs=[
            pl.BlockSpec((4, TNM), lambda i: (0, i)),
            pl.BlockSpec((3, TNM), lambda i: (0, i)),
            pl.BlockSpec((1, TNM), lambda i: (0, i)),
        ],
        out_specs=pl.BlockSpec((NG, TNM), lambda i: (0, i)),
        out_shape=jax.ShapeDtypeStruct((NG, E), f32),
    )(e4, cenT, maskT)

    zj = e4[3].reshape(E, 1)
    fidx = fidx_flat.reshape(NW, CH, G)
    hc = pl.pallas_call(
        _layer0_kernel,
        grid=(NBLK,),
        in_specs=[
            pl.BlockSpec((NG, TNM), lambda i: (0, i)),
            _edge_spec(1), _atom_spec(1),
            _full_spec(100, 4 * C), _full_spec(TNM, 100), _full_spec(4, 4 * C),
            _full_spec(NB + 1, 4 * C),
            _full_spec(C, C), _full_spec(C, C), _full_spec(1, C),
            _full_spec(C, C), _full_spec(C, C), _full_spec(1, C),
        ],
        out_specs=_atom_spec(4 * C),
        out_shape=jax.ShapeDtypeStruct((BN, 4 * C), f32),
        compiler_params=pltpu.CompilerParams(fuse_transposed_lhs_in_matmul=True),
    )(geo_pl, zj, zf, emb4,
      jnp.broadcast_to(cls_row, (TNM, 100)), p4, wrb,
      W0[0], U0[0], b0[0].reshape(1, C),
      W1[0], Wg[0], bg[0].reshape(1, C))

    wro_p = jnp.concatenate([Wro.astype(f32), jnp.zeros((C, 7), f32)], axis=1)
    halves = []
    hcjs = [_get_sc("rows")(hc, fidx_flat[h * (E // 2):(h + 1) * (E // 2)]
                            .reshape(NW, CH // 2, G)) for h in (0, 1)]
    for h in (0, 1):
        off = h * (NBLK // 2)
        halves.append(pl.pallas_call(
            _layer1_kernel,
            grid=(NBLK // 2,),
            in_specs=[
                pl.BlockSpec((NG, TNM), lambda i, off=off: (0, i + off)),
                _edge_spec(4 * C),
                pl.BlockSpec((TN, 4 * C), lambda i, off=off: (i + off, 0)),
                _full_spec(4, 4 * C), _full_spec(NB + 1, 4 * C),
                _full_spec(C, C), _full_spec(C, C), _full_spec(1, C),
                _full_spec(C, 8),
            ],
            out_specs=_atom_spec(8),
            out_shape=jax.ShapeDtypeStruct((BN // 2, 8), f32),
            compiler_params=pltpu.CompilerParams(
                fuse_transposed_lhs_in_matmul=True),
        )(geo_pl, hcjs[h], hc, p4, wra,
          W0[1], U0[1], b0[1].reshape(1, C), wro_p))

    out8 = jnp.concatenate(halves, axis=0)
    return out8[:, 0:1].reshape(B, N, 1) + bro

# --- scband reference (transcript-rebuilt; emitter-appended) ---
"""Pipeline reference for scband-tensor-message-passing-net-3968549782324 (READ-ONLY COPY).

The authoritative reference and input builder live on the scoring server;
editing this copy changes nothing except your own understanding.
"""

import jax, jax.numpy as jnp
import numpy as np

B, N, M, C, NB, L = 4, 2048, 48, 32, 16, 2
RC = 5.0


def setup_inputs(seed: int = 0) -> dict:
    key = jax.random.key(seed)
    ks = jax.random.split(key, 14)
    s = 0.1
    coordinate = jax.random.normal(ks[0], (B, N, 3), dtype=jnp.float32) * 3.0
    atomic_number = jax.random.randint(ks[1], (B, N), 0, 100)
    neighbor = jax.random.randint(ks[2], (B, N, M), 0, N)
    mask = jax.random.randint(ks[3], (B, N, M), 0, 2).astype(bool)
    emb_table = jax.random.normal(ks[4], (100, C), dtype=jnp.float32)
    Wr = jax.random.normal(ks[5], (L, NB, 4 * C), dtype=jnp.float32) * s
    br = jnp.zeros((L, 4 * C), dtype=jnp.float32)
    W0 = jax.random.normal(ks[6], (L, C, C), dtype=jnp.float32) * s
    U0 = jax.random.normal(ks[7], (L, C, C), dtype=jnp.float32) * s
    b0 = jnp.zeros((L, C), dtype=jnp.float32)
    W1 = jax.random.normal(ks[8], (L, C, C), dtype=jnp.float32) * s
    U1 = jax.random.normal(ks[9], (L, C, C), dtype=jnp.float32) * s
    Wg = jax.random.normal(ks[10], (L, C, C), dtype=jnp.float32) * s
    bg = jnp.zeros((L, C), dtype=jnp.float32)
    Wro = jax.random.normal(ks[11], (C, 1), dtype=jnp.float32) * s
    bro = jnp.zeros((1,), dtype=jnp.float32)
    return {"coordinate": coordinate, "atomic_number": atomic_number, "neighbor": neighbor, "mask": mask, "emb_table": emb_table, "Wr": Wr, "br": br, "W0": W0, "U0": U0, "b0": b0, "W1": W1, "U1": U1, "Wg": Wg, "bg": bg, "Wro": Wro, "bro": bro}


def reference(coordinate, atomic_number, neighbor, mask, emb_table, Wr, br, W0, U0, b0, W1, U1, Wg, bg, Wro, bro):
    flat_idx = neighbor.reshape(B, N * M)
    coord_j = jnp.take_along_axis(coordinate, flat_idx[:, :, None], axis=1).reshape(B, N, M, 3)
    rij = coord_j - coordinate[:, :, None, :]
    d = jnp.sqrt(jnp.sum(rij * rij, axis=-1) + 1e-12)
    u = rij / d[..., None]
    freq = jnp.arange(1, NB + 1, dtype=jnp.float32)
    rbf = jnp.sin(freq * jnp.pi * d[..., None] / RC) / d[..., None]
    env = 0.5 * (jnp.cos(jnp.pi * jnp.clip(d, 0.0, RC) / RC) + 1.0) * (d < RC).astype(jnp.float32)
    maskf = mask.astype(jnp.float32) * env
    h0 = emb_table[atomic_number]
    h1 = jnp.zeros((B, N, C, 3), dtype=jnp.float32)
    for l in range(L):
        filt = (rbf @ Wr[l] + br[l]) * maskf[..., None]
        f00, f01, f10, f11 = jnp.split(filt, 4, axis=-1)
        h0_j = jnp.take_along_axis(h0, flat_idx[:, :, None], axis=1).reshape(B, N, M, C)
        h1_j = jnp.take_along_axis(h1, flat_idx[:, :, None, None], axis=1).reshape(B, N, M, C, 3)
        dot = jnp.sum(h1_j * u[:, :, :, None, :], axis=-1)
        m0 = jnp.sum(f00 * h0_j + f10 * dot, axis=2)
        m1 = jnp.sum((f01 * h0_j)[..., None] * u[:, :, :, None, :] + f11[..., None] * h1_j, axis=2)
        h0 = jax.nn.silu(m0 @ W0[l] + h0 @ U0[l] + b0[l])
        h1_mix = jnp.einsum('bncd,ce->bned', m1, W1[l]) + jnp.einsum('bncd,ce->bned', h1, U1[l])
        gate = jax.nn.silu(m0 @ Wg[l] + bg[l])
        h1 = h1_mix * gate[..., None]
    out = h0 @ Wro + bro
    return out

if __name__ == "__main__":
    import jax
    _d = setup_inputs()
    print(jax.jit(kernel)(*tuple(_d.values())))

</pallas_src>

<mosaic_0001>
#map = affine_map<(d0, d1) -> (0, 0)>
#map1 = affine_map<(d0, d1) -> (0, 0, 0)>
module attributes {stable_mosaic.version = 14 : i64} {
  func.func @row_gather(%arg0: i32, %arg1: i32, %arg2: memref<8192x128xf32, #tpu.memory_space<hbm>>, %arg3: memref<32x48x128xi32, #tpu.memory_space<hbm>>, %arg4: memref<196608x128xf32, #tpu.memory_space<hbm>>, %arg5: memref<48x128xi32, #tpu.memory_space<vmem>>, %arg6: memref<128x128xf32, #tpu.memory_space<vmem>>, %arg7: memref<!tpu.dma_semaphore, #tpu.memory_space<semaphore_mem>>) attributes {dimension_semantics = [#tpu.dimension_semantics<core_parallel>, #tpu.dimension_semantics<subcore_parallel>], iteration_bounds = array<i64: 2, 16>, scalar_prefetch = 0 : i64, scratch_operands = 3 : i64, tpu.core_type = #tpu.core_type<sc_vector_subcore>, window_params = [{transform_indices = #map}, {transform_indices = #map1}, {transform_indices = #map}]} {
    %mul3A = arith.constant 2 : i32
    %mul3A_0 = arith.muli %arg1, %mul3A : i32
    %add3A = arith.addi %mul3A_0, %arg0 : i32
    %mul3A_1 = arith.constant 6144 : i32
    %mul3A_2 = arith.muli %add3A, %mul3A_1 : i32
    "tpu.region"() ({
      %run_scoped3A = tpu.sem_alloc : memref<!tpu.dma_semaphore, #tpu.memory_space<semaphore_mem>>
      %dma_start3A = arith.constant 0 : i32
      %dma_start3A_8 = arith.constant 0 : i32
      %dma_start3A_9 = tpu.memref_slice %arg3[%add3A, %dma_start3A, %dma_start3A_8] : memref<32x48x128xi32, #tpu.memory_space<hbm>> -> memref<1x48x128xi32, #tpu.memory_space<hbm>>
      %dma_start3A_10 = tpu.memref_squeeze %dma_start3A_9 : memref<1x48x128xi32, #tpu.memory_space<hbm>> -> memref<48x128xi32, #tpu.memory_space<hbm>>
      %dma_start3A_11 = arith.constant 0 : i32
      %dma_start3A_12 = arith.constant 0 : i32
      %dma_start3A_13 = tpu.memref_slice %arg3[%add3A, %dma_start3A_11, %dma_start3A_12] : memref<32x48x128xi32, #tpu.memory_space<hbm>> -> memref<1x48x128xi32, #tpu.memory_space<hbm>>
      %dma_start3A_14 = tpu.memref_squeeze %dma_start3A_13 : memref<1x48x128xi32, #tpu.memory_space<hbm>> -> memref<48x128xi32, #tpu.memory_space<hbm>>
      tpu.enqueue_dma source(%dma_start3A_14 : memref<48x128xi32, #tpu.memory_space<hbm>>) target(%arg5 : memref<48x128xi32, #tpu.memory_space<vmem>>) target_semaphore(%run_scoped3A : memref<!tpu.dma_semaphore, #tpu.memory_space<semaphore_mem>>)
      %dma_wait3A = arith.constant 0 : i32
      %dma_wait3A_15 = arith.constant 0 : i32
      %dma_wait3A_16 = tpu.memref_slice %arg3[%add3A, %dma_wait3A, %dma_wait3A_15] : memref<32x48x128xi32, #tpu.memory_space<hbm>> -> memref<1x48x128xi32, #tpu.memory_space<hbm>>
      %dma_wait3A_17 = tpu.memref_squeeze %dma_wait3A_16 : memref<1x48x128xi32, #tpu.memory_space<hbm>> -> memref<48x128xi32, #tpu.memory_space<hbm>>
      %dma_wait3A_18 = arith.constant 0 : i32
      %dma_wait3A_19 = arith.constant 0 : i32
      %dma_wait3A_20 = tpu.memref_slice %arg3[%add3A, %dma_wait3A_18, %dma_wait3A_19] : memref<32x48x128xi32, #tpu.memory_space<hbm>> -> memref<1x48x128xi32, #tpu.memory_space<hbm>>
      %dma_wait3A_21 = tpu.memref_squeeze %dma_wait3A_20 : memref<1x48x128xi32, #tpu.memory_space<hbm>> -> memref<48x128xi32, #tpu.memory_space<hbm>>
      tpu.wait_dma2 semaphore(%run_scoped3A : memref<!tpu.dma_semaphore, #tpu.memory_space<semaphore_mem>>) src(%dma_wait3A_21 : memref<48x128xi32, #tpu.memory_space<hbm>>) dst(%arg5 : memref<48x128xi32, #tpu.memory_space<vmem>>)
      tpu.yield
    }) : () -> ()
    %scan3A = arith.constant 0 : i32
    %scan3A_3 = arith.constant 0 : i32
    %scan3A_4 = arith.constant 48 : i32
    %scan3A_5 = arith.addi %scan3A_3, %scan3A_4 : i32
    %scan3A_6 = arith.constant 1 : i32
    scf.for %scan3A_8 = %scan3A_3 to %scan3A_5 step %scan3A_6  : i32 {
      %dma_start3A = arith.constant 0 : i32
      %dma_start3A_9 = tpu.memref_slice %arg5[%scan3A_8, %dma_start3A] : memref<48x128xi32, #tpu.memory_space<vmem>> -> memref<1x128xi32, #tpu.memory_space<vmem>>
      %dma_start3A_10 = tpu.memref_squeeze %dma_start3A_9 : memref<1x128xi32, #tpu.memory_space<vmem>> -> memref<128xi32, #tpu.memory_space<vmem>>
      %dma_start3A_11 = arith.constant 0 : i32
      %dma_start3A_12 = arith.constant 0 : i32
      %dma_start3A_13 = tpu.memref_slice %arg2[%dma_start3A_11, %dma_start3A_12] : memref<8192x128xf32, #tpu.memory_space<hbm>> -> memref<8192x128xf32, #tpu.memory_space<hbm>>
      tpu.enqueue_indirect_dma source(%dma_start3A_13 : memref<8192x128xf32, #tpu.memory_space<hbm>>) target(%arg6 : memref<128x128xf32, #tpu.memory_space<vmem>>) offsets(%dma_start3A_10 : memref<128xi32, #tpu.memory_space<vmem>>) semaphore(%arg7 : memref<!tpu.dma_semaphore, #tpu.memory_space<semaphore_mem>>)
      %dma_wait3A = arith.constant 0 : i32
      %dma_wait3A_14 = tpu.memref_slice %arg5[%scan3A_8, %dma_wait3A] : memref<48x128xi32, #tpu.memory_space<vmem>> -> memref<1x128xi32, #tpu.memory_space<vmem>>
      %dma_wait3A_15 = tpu.memref_squeeze %dma_wait3A_14 : memref<1x128xi32, #tpu.memory_space<vmem>> -> memref<128xi32, #tpu.memory_space<vmem>>
      %dma_wait3A_16 = arith.constant 0 : i32
      %dma_wait3A_17 = arith.constant 0 : i32
      %dma_wait3A_18 = tpu.memref_slice %arg2[%dma_wait3A_16, %dma_wait3A_17] : memref<8192x128xf32, #tpu.memory_space<hbm>> -> memref<8192x128xf32, #tpu.memory_space<hbm>>
      tpu.wait_indirect_dma semaphore(%arg7 : memref<!tpu.dma_semaphore, #tpu.memory_space<semaphore_mem>>) src(%dma_wait3A_18 : memref<8192x128xf32, #tpu.memory_space<hbm>>) dst(%arg6 : memref<128x128xf32, #tpu.memory_space<vmem>>)
      %mul3A_19 = arith.constant 128 : i32
      %mul3A_20 = arith.muli %scan3A_8, %mul3A_19 : i32
      %add3A_21 = arith.addi %mul3A_2, %mul3A_20 : i32
      "tpu.region"() ({
        %run_scoped3A = tpu.sem_alloc : memref<!tpu.dma_semaphore, #tpu.memory_space<semaphore_mem>>
        %dma_start3A_22 = arith.constant 0 : i32
        %dma_start3A_23 = tpu.memref_slice %arg4[%add3A_21, %dma_start3A_22] : memref<196608x128xf32, #tpu.memory_space<hbm>> -> memref<128x128xf32, #tpu.memory_space<hbm>>
        %dma_start3A_24 = arith.constant 0 : i32
        %dma_start3A_25 = tpu.memref_slice %arg4[%add3A_21, %dma_start3A_24] : memref<196608x128xf32, #tpu.memory_space<hbm>> -> memref<128x128xf32, #tpu.memory_space<hbm>>
        tpu.enqueue_dma source(%arg6 : memref<128x128xf32, #tpu.memory_space<vmem>>) target(%dma_start3A_25 : memref<128x128xf32, #tpu.memory_space<hbm>>) target_semaphore(%run_scoped3A : memref<!tpu.dma_semaphore, #tpu.memory_space<semaphore_mem>>)
        %dma_wait3A_26 = arith.constant 0 : i32
        %dma_wait3A_27 = tpu.memref_slice %arg4[%add3A_21, %dma_wait3A_26] : memref<196608x128xf32, #tpu.memory_space<hbm>> -> memref<128x128xf32, #tpu.memory_space<hbm>>
        %dma_wait3A_28 = arith.constant 0 : i32
        %dma_wait3A_29 = tpu.memref_slice %arg4[%add3A_21, %dma_wait3A_28] : memref<196608x128xf32, #tpu.memory_space<hbm>> -> memref<128x128xf32, #tpu.memory_space<hbm>>
        tpu.wait_dma2 semaphore(%run_scoped3A : memref<!tpu.dma_semaphore, #tpu.memory_space<semaphore_mem>>) src(%arg6 : memref<128x128xf32, #tpu.memory_space<vmem>>) dst(%dma_wait3A_29 : memref<128x128xf32, #tpu.memory_space<hbm>>)
        tpu.yield
      }) : () -> ()
    }
    %scan3A_7 = arith.constant 48 : i32
    return
  }
}

#map = affine_map<(d0, d1) -> (0)>
#map1 = affine_map<(d0, d1) -> (0, 0)>
module attributes {stable_mosaic.version = 14 : i64} {
  func.func @static_gather(%arg0: i32, %arg1: i32, %arg2: memref<32768xf32, #tpu.memory_space<hbm>>, %arg3: memref<393216xi32, #tpu.memory_space<hbm>>, %arg4: memref<4x393216xf32, #tpu.memory_space<hbm>>, %arg5: memref<32768xf32, #tpu.memory_space<vmem>>, %arg6: memref<12288xi32, #tpu.memory_space<vmem>>, %arg7: memref<4x12288xf32, #tpu.memory_space<vmem>>, %arg8: memref<!tpu.dma_semaphore, #tpu.memory_space<semaphore_mem>>) attributes {dimension_semantics = [#tpu.dimension_semantics<core_parallel>, #tpu.dimension_semantics<subcore_parallel>], iteration_bounds = array<i64: 2, 16>, scalar_prefetch = 0 : i64, scratch_operands = 4 : i64, tpu.core_type = #tpu.core_type<sc_vector_subcore>, window_params = [{transform_indices = #map}, {transform_indices = #map}, {transform_indices = #map1}]} {
    %mul3A = arith.constant 2 : i32
    %mul3A_0 = arith.muli %arg1, %mul3A : i32
    %add3A = arith.addi %mul3A_0, %arg0 : i32
    %mul3A_1 = arith.constant 12288 : i32
    %mul3A_2 = arith.muli %add3A, %mul3A_1 : i32
    "tpu.region"() ({
      %run_scoped3A_15 = tpu.sem_alloc : memref<!tpu.dma_semaphore, #tpu.memory_space<semaphore_mem>>
      tpu.enqueue_dma source(%arg2 : memref<32768xf32, #tpu.memory_space<hbm>>) target(%arg5 : memref<32768xf32, #tpu.memory_space<vmem>>) target_semaphore(%run_scoped3A_15 : memref<!tpu.dma_semaphore, #tpu.memory_space<semaphore_mem>>)
      tpu.wait_dma2 semaphore(%run_scoped3A_15 : memref<!tpu.dma_semaphore, #tpu.memory_space<semaphore_mem>>) src(%arg2 : memref<32768xf32, #tpu.memory_space<hbm>>) dst(%arg5 : memref<32768xf32, #tpu.memory_space<vmem>>)
      tpu.yield
    }) : () -> ()
    "tpu.region"() ({
      %run_scoped3A_15 = tpu.sem_alloc : memref<!tpu.dma_semaphore, #tpu.memory_space<semaphore_mem>>
      %dma_start3A = tpu.memref_slice %arg3[%mul3A_2] : memref<393216xi32, #tpu.memory_space<hbm>> -> memref<12288xi32, #tpu.memory_space<hbm>>
      %dma_start3A_16 = tpu.memref_slice %arg3[%mul3A_2] : memref<393216xi32, #tpu.memory_space<hbm>> -> memref<12288xi32, #tpu.memory_space<hbm>>
      tpu.enqueue_dma source(%dma_start3A_16 : memref<12288xi32, #tpu.memory_space<hbm>>) target(%arg6 : memref<12288xi32, #tpu.memory_space<vmem>>) target_semaphore(%run_scoped3A_15 : memref<!tpu.dma_semaphore, #tpu.memory_space<semaphore_mem>>)
      %dma_wait3A = tpu.memref_slice %arg3[%mul3A_2] : memref<393216xi32, #tpu.memory_space<hbm>> -> memref<12288xi32, #tpu.memory_space<hbm>>
      %dma_wait3A_17 = tpu.memref_slice %arg3[%mul3A_2] : memref<393216xi32, #tpu.memory_space<hbm>> -> memref<12288xi32, #tpu.memory_space<hbm>>
      tpu.wait_dma2 semaphore(%run_scoped3A_15 : memref<!tpu.dma_semaphore, #tpu.memory_space<semaphore_mem>>) src(%dma_wait3A_17 : memref<12288xi32, #tpu.memory_space<hbm>>) dst(%arg6 : memref<12288xi32, #tpu.memory_space<vmem>>)
      tpu.yield
    }) : () -> ()
    %scan3A = arith.constant 0 : i32
    %scan3A_3 = arith.constant 0 : i32
    %scan3A_4 = arith.constant 768 : i32
    %scan3A_5 = arith.addi %scan3A_3, %scan3A_4 : i32
    %scan3A_6 = arith.constant 1 : i32
    scf.for %scan3A_15 = %scan3A_3 to %scan3A_5 step %scan3A_6  : i32 {
      %mul3A_16 = arith.constant 16 : i32
      %mul3A_17 = arith.muli %scan3A_15, %mul3A_16 : i32
      %get3A = arith.index_cast %mul3A_17 : i32 to index
      %get3A_18 = tpu.vector_load %arg6[%get3A] {strides = array<i32>} : memref<12288xi32, #tpu.memory_space<vmem>>, vector<16xi32>,
      %add3A_19 = arith.constant 0 : i32
      %add3A_20 = vector.broadcast %add3A_19 : i32 to vector<16xi32>
      %add3A_21 = arith.addi %get3A_18, %add3A_20 : vector<16xi32>
      %gather3A = tpu.vector_load_idx %arg5[%add3A_21] : memref<32768xf32, #tpu.memory_space<vmem>>[vector<16xi32>], vector<16xf32>,
      %mul3A_22 = arith.constant 16 : i32
      %mul3A_23 = arith.muli %scan3A_15, %mul3A_22 : i32
      %swap3A = arith.constant 0 : i32
      %swap3A_24 = arith.index_cast %swap3A : i32 to index
      %swap3A_25 = arith.index_cast %mul3A_23 : i32 to index
      %swap3A_26 = tpu.vector_load %arg7[%swap3A_24, %swap3A_25] {strides = array<i32>} : memref<4x12288xf32, #tpu.memory_space<vmem>>, vector<16xf32>,
      tpu.vector_store %arg7[%swap3A_24, %swap3A_25], %gather3A {strides = array<i32>} : memref<4x12288xf32, #tpu.memory_space<vmem>>, vector<16xf32>,
      %add3A_27 = arith.constant 8192 : i32
      %add3A_28 = vector.broadcast %add3A_27 : i32 to vector<16xi32>
      %add3A_29 = arith.addi %get3A_18, %add3A_28 : vector<16xi32>
      %gather3A_30 = tpu.vector_load_idx %arg5[%add3A_29] : memref<32768xf32, #tpu.memory_space<vmem>>[vector<16xi32>], vector<16xf32>,
      %mul3A_31 = arith.constant 16 : i32
      %mul3A_32 = arith.muli %scan3A_15, %mul3A_31 : i32
      %swap3A_33 = arith.constant 1 : i32
      %swap3A_34 = arith.index_cast %swap3A_33 : i32 to index
      %swap3A_35 = arith.index_cast %mul3A_32 : i32 to index
      %swap3A_36 = tpu.vector_load %arg7[%swap3A_34, %swap3A_35] {strides = array<i32>} : memref<4x12288xf32, #tpu.memory_space<vmem>>, vector<16xf32>,
      tpu.vector_store %arg7[%swap3A_34, %swap3A_35], %gather3A_30 {strides = array<i32>} : memref<4x12288xf32, #tpu.memory_space<vmem>>, vector<16xf32>,
      %add3A_37 = arith.constant 16384 : i32
      %add3A_38 = vector.broadcast %add3A_37 : i32 to vector<16xi32>
      %add3A_39 = arith.addi %get3A_18, %add3A_38 : vector<16xi32>
      %gather3A_40 = tpu.vector_load_idx %arg5[%add3A_39] : memref<32768xf32, #tpu.memory_space<vmem>>[vector<16xi32>], vector<16xf32>,
      %mul3A_41 = arith.constant 16 : i32
      %mul3A_42 = arith.muli %scan3A_15, %mul3A_41 : i32
      %swap3A_43 = arith.constant 2 : i32
      %swap3A_44 = arith.index_cast %swap3A_43 : i32 to index
      %swap3A_45 = arith.index_cast %mul3A_42 : i32 to index
      %swap3A_46 = tpu.vector_load %arg7[%swap3A_44, %swap3A_45] {strides = array<i32>} : memref<4x12288xf32, #tpu.memory_space<vmem>>, vector<16xf32>,
      tpu.vector_store %arg7[%swap3A_44, %swap3A_45], %gather3A_40 {strides = array<i32>} : memref<4x12288xf32, #tpu.memory_space<vmem>>, vector<16xf32>,
      %add3A_47 = arith.constant 24576 : i32
      %add3A_48 = vector.broadcast %add3A_47 : i32 to vector<16xi32>
      %add3A_49 = arith.addi %get3A_18, %add3A_48 : vector<16xi32>
      %gather3A_50 = tpu.vector_load_idx %arg5[%add3A_49] : memref<32768xf32, #tpu.memory_space<vmem>>[vector<16xi32>], vector<16xf32>,
      %mul3A_51 = arith.constant 16 : i32
      %mul3A_52 = arith.muli %scan3A_15, %mul3A_51 : i32
      %swap3A_53 = arith.constant 3 : i32
      %swap3A_54 = arith.index_cast %swap3A_53 : i32 to index
      %swap3A_55 = arith.index_cast %mul3A_52 : i32 to index
      %swap3A_56 = tpu.vector_load %arg7[%swap3A_54, %swap3A_55] {strides = array<i32>} : memref<4x12288xf32, #tpu.memory_space<vmem>>, vector<16xf32>,
      tpu.vector_store %arg7[%swap3A_54, %swap3A_55], %gather3A_50 {strides = array<i32>} : memref<4x12288xf32, #tpu.memory_space<vmem>>, vector<16xf32>,
    }
    %scan3A_7 = arith.constant 768 : i32
    %run_scoped3A = arith.constant 0 : i32
    %run_scoped3A_8 = arith.constant 0 : i32
    "tpu.region"() ({
      %run_scoped3A_15 = tpu.sem_alloc : memref<!tpu.dma_semaphore, #tpu.memory_space<semaphore_mem>>
      %dma_start3A = arith.constant 0 : i32
      %dma_start3A_16 = tpu.memref_slice %arg7[%run_scoped3A, %dma_start3A] : memref<4x12288xf32, #tpu.memory_space<vmem>> -> memref<1x12288xf32, #tpu.memory_space<vmem>>
      %dma_start3A_17 = tpu.memref_squeeze %dma_start3A_16 : memref<1x12288xf32, #tpu.memory_space<vmem>> -> memref<12288xf32, #tpu.memory_space<vmem>>
      %dma_start3A_18 = tpu.memref_slice %arg4[%run_scoped3A_8, %mul3A_2] : memref<4x393216xf32, #tpu.memory_space<hbm>> -> memref<1x12288xf32, #tpu.memory_space<hbm>>
      %dma_start3A_19 = tpu.memref_squeeze %dma_start3A_18 : memref<1x12288xf32, #tpu.memory_space<hbm>> -> memref<12288xf32, #tpu.memory_space<hbm>>
      %dma_start3A_20 = tpu.memref_slice %arg4[%run_scoped3A_8, %mul3A_2] : memref<4x393216xf32, #tpu.memory_space<hbm>> -> memref<1x12288xf32, #tpu.memory_space<hbm>>
      %dma_start3A_21 = tpu.memref_squeeze %dma_start3A_20 : memref<1x12288xf32, #tpu.memory_space<hbm>> -> memref<12288xf32, #tpu.memory_space<hbm>>
      %dma_start3A_22 = arith.constant 0 : i32
      %dma_start3A_23 = tpu.memref_slice %arg7[%run_scoped3A, %dma_start3A_22] : memref<4x12288xf32, #tpu.memory_space<vmem>> -> memref<1x12288xf32, #tpu.memory_space<vmem>>
      %dma_start3A_24 = tpu.memref_squeeze %dma_start3A_23 : memref<1x12288xf32, #tpu.memory_space<vmem>> -> memref<12288xf32, #tpu.memory_space<vmem>>
      tpu.enqueue_dma source(%dma_start3A_24 : memref<12288xf32, #tpu.memory_space<vmem>>) target(%dma_start3A_21 : memref<12288xf32, #tpu.memory_space<hbm>>) target_semaphore(%run_scoped3A_15 : memref<!tpu.dma_semaphore, #tpu.memory_space<semaphore_mem>>)
      %dma_wait3A = arith.constant 0 : i32
      %dma_wait3A_25 = tpu.memref_slice %arg7[%run_scoped3A, %dma_wait3A] : memref<4x12288xf32, #tpu.memory_space<vmem>> -> memref<1x12288xf32, #tpu.memory_space<vmem>>
      %dma_wait3A_26 = tpu.memref_squeeze %dma_wait3A_25 : memref<1x12288xf32, #tpu.memory_space<vmem>> -> memref<12288xf32, #tpu.memory_space<vmem>>
      %dma_wait3A_27 = tpu.memref_slice %arg4[%run_scoped3A_8, %mul3A_2] : memref<4x393216xf32, #tpu.memory_space<hbm>> -> memref<1x12288xf32, #tpu.memory_space<hbm>>
      %dma_wait3A_28 = tpu.memref_squeeze %dma_wait3A_27 : memref<1x12288xf32, #tpu.memory_space<hbm>> -> memref<12288xf32, #tpu.memory_space<hbm>>
      %dma_wait3A_29 = tpu.memref_slice %arg4[%run_scoped3A_8, %mul3A_2] : memref<4x393216xf32, #tpu.memory_space<hbm>> -> memref<1x12288xf32, #tpu.memory_space<hbm>>
      %dma_wait3A_30 = tpu.memref_squeeze %dma_wait3A_29 : memref<1x12288xf32, #tpu.memory_space<hbm>> -> memref<12288xf32, #tpu.memory_space<hbm>>
      %dma_wait3A_31 = arith.constant 0 : i32
      %dma_wait3A_32 = tpu.memref_slice %arg7[%run_scoped3A, %dma_wait3A_31] : memref<4x12288xf32, #tpu.memory_space<vmem>> -> memref<1x12288xf32, #tpu.memory_space<vmem>>
      %dma_wait3A_33 = tpu.memref_squeeze %dma_wait3A_32 : memref<1x12288xf32, #tpu.memory_space<vmem>> -> memref<12288xf32, #tpu.memory_space<vmem>>
      tpu.wait_dma2 semaphore(%run_scoped3A_15 : memref<!tpu.dma_semaphore, #tpu.memory_space<semaphore_mem>>) src(%dma_wait3A_33 : memref<12288xf32, #tpu.memory_space<vmem>>) dst(%dma_wait3A_30 : memref<12288xf32, #tpu.memory_space<hbm>>)
      tpu.yield
    }) : () -> ()
    %run_scoped3A_9 = arith.constant 1 : i32
    %run_scoped3A_10 = arith.constant 1 : i32
    "tpu.region"() ({
      %run_scoped3A_15 = tpu.sem_alloc : memref<!tpu.dma_semaphore, #tpu.memory_space<semaphore_mem>>
      %dma_start3A = arith.constant 0 : i32
      %dma_start3A_16 = tpu.memref_slice %arg7[%run_scoped3A_9, %dma_start3A] : memref<4x12288xf32, #tpu.memory_space<vmem>> -> memref<1x12288xf32, #tpu.memory_space<vmem>>
      %dma_start3A_17 = tpu.memref_squeeze %dma_start3A_16 : memref<1x12288xf32, #tpu.memory_space<vmem>> -> memref<12288xf32, #tpu.memory_space<vmem>>
      %dma_start3A_18 = tpu.memref_slice %arg4[%run_scoped3A_10, %mul3A_2] : memref<4x393216xf32, #tpu.memory_space<hbm>> -> memref<1x12288xf32, #tpu.memory_space<hbm>>
      %dma_start3A_19 = tpu.memref_squeeze %dma_start3A_18 : memref<1x12288xf32, #tpu.memory_space<hbm>> -> memref<12288xf32, #tpu.memory_space<hbm>>
      %dma_start3A_20 = tpu.memref_slice %arg4[%run_scoped3A_10, %mul3A_2] : memref<4x393216xf32, #tpu.memory_space<hbm>> -> memref<1x12288xf32, #tpu.memory_space<hbm>>
      %dma_start3A_21 = tpu.memref_squeeze %dma_start3A_20 : memref<1x12288xf32, #tpu.memory_space<hbm>> -> memref<12288xf32, #tpu.memory_space<hbm>>
      %dma_start3A_22 = arith.constant 0 : i32
      %dma_start3A_23 = tpu.memref_slice %arg7[%run_scoped3A_9, %dma_start3A_22] : memref<4x12288xf32, #tpu.memory_space<vmem>> -> memref<1x12288xf32, #tpu.memory_space<vmem>>
      %dma_start3A_24 = tpu.memref_squeeze %dma_start3A_23 : memref<1x12288xf32, #tpu.memory_space<vmem>> -> memref<12288xf32, #tpu.memory_space<vmem>>
      tpu.enqueue_dma source(%dma_start3A_24 : memref<12288xf32, #tpu.memory_space<vmem>>) target(%dma_start3A_21 : memref<12288xf32, #tpu.memory_space<hbm>>) target_semaphore(%run_scoped3A_15 : memref<!tpu.dma_semaphore, #tpu.memory_space<semaphore_mem>>)
      %dma_wait3A = arith.constant 0 : i32
      %dma_wait3A_25 = tpu.memref_slice %arg7[%run_scoped3A_9, %dma_wait3A] : memref<4x12288xf32, #tpu.memory_space<vmem>> -> memref<1x12288xf32, #tpu.memory_space<vmem>>
      %dma_wait3A_26 = tpu.memref_squeeze %dma_wait3A_25 : memref<1x12288xf32, #tpu.memory_space<vmem>> -> memref<12288xf32, #tpu.memory_space<vmem>>
      %dma_wait3A_27 = tpu.memref_slice %arg4[%run_scoped3A_10, %mul3A_2] : memref<4x393216xf32, #tpu.memory_space<hbm>> -> memref<1x12288xf32, #tpu.memory_space<hbm>>
      %dma_wait3A_28 = tpu.memref_squeeze %dma_wait3A_27 : memref<1x12288xf32, #tpu.memory_space<hbm>> -> memref<12288xf32, #tpu.memory_space<hbm>>
      %dma_wait3A_29 = tpu.memref_slice %arg4[%run_scoped3A_10, %mul3A_2] : memref<4x393216xf32, #tpu.memory_space<hbm>> -> memref<1x12288xf32, #tpu.memory_space<hbm>>
      %dma_wait3A_30 = tpu.memref_squeeze %dma_wait3A_29 : memref<1x12288xf32, #tpu.memory_space<hbm>> -> memref<12288xf32, #tpu.memory_space<hbm>>
      %dma_wait3A_31 = arith.constant 0 : i32
      %dma_wait3A_32 = tpu.memref_slice %arg7[%run_scoped3A_9, %dma_wait3A_31] : memref<4x12288xf32, #tpu.memory_space<vmem>> -> memref<1x12288xf32, #tpu.memory_space<vmem>>
      %dma_wait3A_33 = tpu.memref_squeeze %dma_wait3A_32 : memref<1x12288xf32, #tpu.memory_space<vmem>> -> memref<12288xf32, #tpu.memory_space<vmem>>
      tpu.wait_dma2 semaphore(%run_scoped3A_15 : memref<!tpu.dma_semaphore, #tpu.memory_space<semaphore_mem>>) src(%dma_wait3A_33 : memref<12288xf32, #tpu.memory_space<vmem>>) dst(%dma_wait3A_30 : memref<12288xf32, #tpu.memory_space<hbm>>)
      tpu.yield
    }) : () -> ()
    %run_scoped3A_11 = arith.constant 2 : i32
    %run_scoped3A_12 = arith.constant 2 : i32
    "tpu.region"() ({
      %run_scoped3A_15 = tpu.sem_alloc : memref<!tpu.dma_semaphore, #tpu.memory_space<semaphore_mem>>
      %dma_start3A = arith.constant 0 : i32
      %dma_start3A_16 = tpu.memref_slice %arg7[%run_scoped3A_11, %dma_start3A] : memref<4x12288xf32, #tpu.memory_space<vmem>> -> memref<1x12288xf32, #tpu.memory_space<vmem>>
      %dma_start3A_17 = tpu.memref_squeeze %dma_start3A_16 : memref<1x12288xf32, #tpu.memory_space<vmem>> -> memref<12288xf32, #tpu.memory_space<vmem>>
      %dma_start3A_18 = tpu.memref_slice %arg4[%run_scoped3A_12, %mul3A_2] : memref<4x393216xf32, #tpu.memory_space<hbm>> -> memref<1x12288xf32, #tpu.memory_space<hbm>>
      %dma_start3A_19 = tpu.memref_squeeze %dma_start3A_18 : memref<1x12288xf32, #tpu.memory_space<hbm>> -> memref<12288xf32, #tpu.memory_space<hbm>>
      %dma_start3A_20 = tpu.memref_slice %arg4[%run_scoped3A_12, %mul3A_2] : memref<4x393216xf32, #tpu.memory_space<hbm>> -> memref<1x12288xf32, #tpu.memory_space<hbm>>
      %dma_start3A_21 = tpu.memref_squeeze %dma_start3A_20 : memref<1x12288xf32, #tpu.memory_space<hbm>> -> memref<12288xf32, #tpu.memory_space<hbm>>
      %dma_start3A_22 = arith.constant 0 : i32
      %dma_start3A_23 = tpu.memref_slice %arg7[%run_scoped3A_11, %dma_start3A_22] : memref<4x12288xf32, #tpu.memory_space<vmem>> -> memref<1x12288xf32, #tpu.memory_space<vmem>>
      %dma_start3A_24 = tpu.memref_squeeze %dma_start3A_23 : memref<1x12288xf32, #tpu.memory_space<vmem>> -> memref<12288xf32, #tpu.memory_space<vmem>>
      tpu.enqueue_dma source(%dma_start3A_24 : memref<12288xf32, #tpu.memory_space<vmem>>) target(%dma_start3A_21 : memref<12288xf32, #tpu.memory_space<hbm>>) target_semaphore(%run_scoped3A_15 : memref<!tpu.dma_semaphore, #tpu.memory_space<semaphore_mem>>)
      %dma_wait3A = arith.constant 0 : i32
      %dma_wait3A_25 = tpu.memref_slice %arg7[%run_scoped3A_11, %dma_wait3A] : memref<4x12288xf32, #tpu.memory_space<vmem>> -> memref<1x12288xf32, #tpu.memory_space<vmem>>
      %dma_wait3A_26 = tpu.memref_squeeze %dma_wait3A_25 : memref<1x12288xf32, #tpu.memory_space<vmem>> -> memref<12288xf32, #tpu.memory_space<vmem>>
      %dma_wait3A_27 = tpu.memref_slice %arg4[%run_scoped3A_12, %mul3A_2] : memref<4x393216xf32, #tpu.memory_space<hbm>> -> memref<1x12288xf32, #tpu.memory_space<hbm>>
      %dma_wait3A_28 = tpu.memref_squeeze %dma_wait3A_27 : memref<1x12288xf32, #tpu.memory_space<hbm>> -> memref<12288xf32, #tpu.memory_space<hbm>>
      %dma_wait3A_29 = tpu.memref_slice %arg4[%run_scoped3A_12, %mul3A_2] : memref<4x393216xf32, #tpu.memory_space<hbm>> -> memref<1x12288xf32, #tpu.memory_space<hbm>>
      %dma_wait3A_30 = tpu.memref_squeeze %dma_wait3A_29 : memref<1x12288xf32, #tpu.memory_space<hbm>> -> memref<12288xf32, #tpu.memory_space<hbm>>
      %dma_wait3A_31 = arith.constant 0 : i32
      %dma_wait3A_32 = tpu.memref_slice %arg7[%run_scoped3A_11, %dma_wait3A_31] : memref<4x12288xf32, #tpu.memory_space<vmem>> -> memref<1x12288xf32, #tpu.memory_space<vmem>>
      %dma_wait3A_33 = tpu.memref_squeeze %dma_wait3A_32 : memref<1x12288xf32, #tpu.memory_space<vmem>> -> memref<12288xf32, #tpu.memory_space<vmem>>
      tpu.wait_dma2 semaphore(%run_scoped3A_15 : memref<!tpu.dma_semaphore, #tpu.memory_space<semaphore_mem>>) src(%dma_wait3A_33 : memref<12288xf32, #tpu.memory_space<vmem>>) dst(%dma_wait3A_30 : memref<12288xf32, #tpu.memory_space<hbm>>)
      tpu.yield
    }) : () -> ()
    %run_scoped3A_13 = arith.constant 3 : i32
    %run_scoped3A_14 = arith.constant 3 : i32
    "tpu.region"() ({
      %run_scoped3A_15 = tpu.sem_alloc : memref<!tpu.dma_semaphore, #tpu.memory_space<semaphore_mem>>
      %dma_start3A = arith.constant 0 : i32
      %dma_start3A_16 = tpu.memref_slice %arg7[%run_scoped3A_13, %dma_start3A] : memref<4x12288xf32, #tpu.memory_space<vmem>> -> memref<1x12288xf32, #tpu.memory_space<vmem>>
      %dma_start3A_17 = tpu.memref_squeeze %dma_start3A_16 : memref<1x12288xf32, #tpu.memory_space<vmem>> -> memref<12288xf32, #tpu.memory_space<vmem>>
      %dma_start3A_18 = tpu.memref_slice %arg4[%run_scoped3A_14, %mul3A_2] : memref<4x393216xf32, #tpu.memory_space<hbm>> -> memref<1x12288xf32, #tpu.memory_space<hbm>>
      %dma_start3A_19 = tpu.memref_squeeze %dma_start3A_18 : memref<1x12288xf32, #tpu.memory_space<hbm>> -> memref<12288xf32, #tpu.memory_space<hbm>>
      %dma_start3A_20 = tpu.memref_slice %arg4[%run_scoped3A_14, %mul3A_2] : memref<4x393216xf32, #tpu.memory_space<hbm>> -> memref<1x12288xf32, #tpu.memory_space<hbm>>
      %dma_start3A_21 = tpu.memref_squeeze %dma_start3A_20 : memref<1x12288xf32, #tpu.memory_space<hbm>> -> memref<12288xf32, #tpu.memory_space<hbm>>
      %dma_start3A_22 = arith.constant 0 : i32
      %dma_start3A_23 = tpu.memref_slice %arg7[%run_scoped3A_13, %dma_start3A_22] : memref<4x12288xf32, #tpu.memory_space<vmem>> -> memref<1x12288xf32, #tpu.memory_space<vmem>>
      %dma_start3A_24 = tpu.memref_squeeze %dma_start3A_23 : memref<1x12288xf32, #tpu.memory_space<vmem>> -> memref<12288xf32, #tpu.memory_space<vmem>>
      tpu.enqueue_dma source(%dma_start3A_24 : memref<12288xf32, #tpu.memory_space<vmem>>) target(%dma_start3A_21 : memref<12288xf32, #tpu.memory_space<hbm>>) target_semaphore(%run_scoped3A_15 : memref<!tpu.dma_semaphore, #tpu.memory_space<semaphore_mem>>)
      %dma_wait3A = arith.constant 0 : i32
      %dma_wait3A_25 = tpu.memref_slice %arg7[%run_scoped3A_13, %dma_wait3A] : memref<4x12288xf32, #tpu.memory_space<vmem>> -> memref<1x12288xf32, #tpu.memory_space<vmem>>
      %dma_wait3A_26 = tpu.memref_squeeze %dma_wait3A_25 : memref<1x12288xf32, #tpu.memory_space<vmem>> -> memref<12288xf32, #tpu.memory_space<vmem>>
      %dma_wait3A_27 = tpu.memref_slice %arg4[%run_scoped3A_14, %mul3A_2] : memref<4x393216xf32, #tpu.memory_space<hbm>> -> memref<1x12288xf32, #tpu.memory_space<hbm>>
      %dma_wait3A_28 = tpu.memref_squeeze %dma_wait3A_27 : memref<1x12288xf32, #tpu.memory_space<hbm>> -> memref<12288xf32, #tpu.memory_space<hbm>>
      %dma_wait3A_29 = tpu.memref_slice %arg4[%run_scoped3A_14, %mul3A_2] : memref<4x393216xf32, #tpu.memory_space<hbm>> -> memref<1x12288xf32, #tpu.memory_space<hbm>>
      %dma_wait3A_30 = tpu.memref_squeeze %dma_wait3A_29 : memref<1x12288xf32, #tpu.memory_space<hbm>> -> memref<12288xf32, #tpu.memory_space<hbm>>
      %dma_wait3A_31 = arith.constant 0 : i32
      %dma_wait3A_32 = tpu.memref_slice %arg7[%run_scoped3A_13, %dma_wait3A_31] : memref<4x12288xf32, #tpu.memory_space<vmem>> -> memref<1x12288xf32, #tpu.memory_space<vmem>>
      %dma_wait3A_33 = tpu.memref_squeeze %dma_wait3A_32 : memref<1x12288xf32, #tpu.memory_space<vmem>> -> memref<12288xf32, #tpu.memory_space<vmem>>
      tpu.wait_dma2 semaphore(%run_scoped3A_15 : memref<!tpu.dma_semaphore, #tpu.memory_space<semaphore_mem>>) src(%dma_wait3A_33 : memref<12288xf32, #tpu.memory_space<vmem>>) dst(%dma_wait3A_30 : memref<12288xf32, #tpu.memory_space<hbm>>)
      tpu.yield
    }) : () -> ()
    return
  }
}

#map = affine_map<(d0, d1) -> (0, 0)>
#map1 = affine_map<(d0, d1) -> (0, 0, 0)>
module attributes {stable_mosaic.version = 14 : i64} {
  func.func @row_gather(%arg0: i32, %arg1: i32, %arg2: memref<8192x128xf32, #tpu.memory_space<hbm>>, %arg3: memref<32x48x128xi32, #tpu.memory_space<hbm>>, %arg4: memref<196608x128xf32, #tpu.memory_space<hbm>>, %arg5: memref<48x128xi32, #tpu.memory_space<vmem>>, %arg6: memref<128x128xf32, #tpu.memory_space<vmem>>, %arg7: memref<!tpu.dma_semaphore, #tpu.memory_space<semaphore_mem>>) attributes {dimension_semantics = [#tpu.dimension_semantics<core_parallel>, #tpu.dimension_semantics<subcore_parallel>], iteration_bounds = array<i64: 2, 16>, scalar_prefetch = 0 : i64, scratch_operands = 3 : i64, tpu.core_type = #tpu.core_type<sc_vector_subcore>, window_params = [{transform_indices = #map}, {transform_indices = #map1}, {transform_indices = #map}]} {
    %mul3A = arith.constant 2 : i32
    %mul3A_0 = arith.muli %arg1, %mul3A : i32
    %add3A = arith.addi %mul3A_0, %arg0 : i32
    %mul3A_1 = arith.constant 6144 : i32
    %mul3A_2 = arith.muli %add3A, %mul3A_1 : i32
    "tpu.region"() ({
      %run_scoped3A = tpu.sem_alloc : memref<!tpu.dma_semaphore, #tpu.memory_space<semaphore_mem>>
      %dma_start3A = arith.constant 0 : i32
      %dma_start3A_8 = arith.constant 0 : i32
      %dma_start3A_9 = tpu.memref_slice %arg3[%add3A, %dma_start3A, %dma_start3A_8] : memref<32x48x128xi32, #tpu.memory_space<hbm>> -> memref<1x48x128xi32, #tpu.memory_space<hbm>>
      %dma_start3A_10 = tpu.memref_squeeze %dma_start3A_9 : memref<1x48x128xi32, #tpu.memory_space<hbm>> -> memref<48x128xi32, #tpu.memory_space<hbm>>
      %dma_start3A_11 = arith.constant 0 : i32
      %dma_start3A_12 = arith.constant 0 : i32
      %dma_start3A_13 = tpu.memref_slice %arg3[%add3A, %dma_start3A_11, %dma_start3A_12] : memref<32x48x128xi32, #tpu.memory_space<hbm>> -> memref<1x48x128xi32, #tpu.memory_space<hbm>>
      %dma_start3A_14 = tpu.memref_squeeze %dma_start3A_13 : memref<1x48x128xi32, #tpu.memory_space<hbm>> -> memref<48x128xi32, #tpu.memory_space<hbm>>
      tpu.enqueue_dma source(%dma_start3A_14 : memref<48x128xi32, #tpu.memory_space<hbm>>) target(%arg5 : memref<48x128xi32, #tpu.memory_space<vmem>>) target_semaphore(%run_scoped3A : memref<!tpu.dma_semaphore, #tpu.memory_space<semaphore_mem>>)
      %dma_wait3A = arith.constant 0 : i32
      %dma_wait3A_15 = arith.constant 0 : i32
      %dma_wait3A_16 = tpu.memref_slice %arg3[%add3A, %dma_wait3A, %dma_wait3A_15] : memref<32x48x128xi32, #tpu.memory_space<hbm>> -> memref<1x48x128xi32, #tpu.memory_space<hbm>>
      %dma_wait3A_17 = tpu.memref_squeeze %dma_wait3A_16 : memref<1x48x128xi32, #tpu.memory_space<hbm>> -> memref<48x128xi32, #tpu.memory_space<hbm>>
      %dma_wait3A_18 = arith.constant 0 : i32
      %dma_wait3A_19 = arith.constant 0 : i32
      %dma_wait3A_20 = tpu.memref_slice %arg3[%add3A, %dma_wait3A_18, %dma_wait3A_19] : memref<32x48x128xi32, #tpu.memory_space<hbm>> -> memref<1x48x128xi32, #tpu.memory_space<hbm>>
      %dma_wait3A_21 = tpu.memref_squeeze %dma_wait3A_20 : memref<1x48x128xi32, #tpu.memory_space<hbm>> -> memref<48x128xi32, #tpu.memory_space<hbm>>
      tpu.wait_dma2 semaphore(%run_scoped3A : memref<!tpu.dma_semaphore, #tpu.memory_space<semaphore_mem>>) src(%dma_wait3A_21 : memref<48x128xi32, #tpu.memory_space<hbm>>) dst(%arg5 : memref<48x128xi32, #tpu.memory_space<vmem>>)
      tpu.yield
    }) : () -> ()
    %scan3A = arith.constant 0 : i32
    %scan3A_3 = arith.constant 0 : i32
    %scan3A_4 = arith.constant 48 : i32
    %scan3A_5 = arith.addi %scan3A_3, %scan3A_4 : i32
    %scan3A_6 = arith.constant 1 : i32
    scf.for %scan3A_8 = %scan3A_3 to %scan3A_5 step %scan3A_6  : i32 {
      %dma_start3A = arith.constant 0 : i32
      %dma_start3A_9 = tpu.memref_slice %arg5[%scan3A_8, %dma_start3A] : memref<48x128xi32, #tpu.memory_space<vmem>> -> memref<1x128xi32, #tpu.memory_space<vmem>>
      %dma_start3A_10 = tpu.memref_squeeze %dma_start3A_9 : memref<1x128xi32, #tpu.memory_space<vmem>> -> memref<128xi32, #tpu.memory_space<vmem>>
      %dma_start3A_11 = arith.constant 0 : i32
      %dma_start3A_12 = arith.constant 0 : i32
      %dma_start3A_13 = tpu.memref_slice %arg2[%dma_start3A_11, %dma_start3A_12] : memref<8192x128xf32, #tpu.memory_space<hbm>> -> memref<8192x128xf32, #tpu.memory_space<hbm>>
      tpu.enqueue_indirect_dma source(%dma_start3A_13 : memref<8192x128xf32, #tpu.memory_space<hbm>>) target(%arg6 : memref<128x128xf32, #tpu.memory_space<vmem>>) offsets(%dma_start3A_10 : memref<128xi32, #tpu.memory_space<vmem>>) semaphore(%arg7 : memref<!tpu.dma_semaphore, #tpu.memory_space<semaphore_mem>>)
      %dma_wait3A = arith.constant 0 : i32
      %dma_wait3A_14 = tpu.memref_slice %arg5[%scan3A_8, %dma_wait3A] : memref<48x128xi32, #tpu.memory_space<vmem>> -> memref<1x128xi32, #tpu.memory_space<vmem>>
      %dma_wait3A_15 = tpu.memref_squeeze %dma_wait3A_14 : memref<1x128xi32, #tpu.memory_space<vmem>> -> memref<128xi32, #tpu.memory_space<vmem>>
      %dma_wait3A_16 = arith.constant 0 : i32
      %dma_wait3A_17 = arith.constant 0 : i32
      %dma_wait3A_18 = tpu.memref_slice %arg2[%dma_wait3A_16, %dma_wait3A_17] : memref<8192x128xf32, #tpu.memory_space<hbm>> -> memref<8192x128xf32, #tpu.memory_space<hbm>>
      tpu.wait_indirect_dma semaphore(%arg7 : memref<!tpu.dma_semaphore, #tpu.memory_space<semaphore_mem>>) src(%dma_wait3A_18 : memref<8192x128xf32, #tpu.memory_space<hbm>>) dst(%arg6 : memref<128x128xf32, #tpu.memory_space<vmem>>)
      %mul3A_19 = arith.constant 128 : i32
      %mul3A_20 = arith.muli %scan3A_8, %mul3A_19 : i32
      %add3A_21 = arith.addi %mul3A_2, %mul3A_20 : i32
      "tpu.region"() ({
        %run_scoped3A = tpu.sem_alloc : memref<!tpu.dma_semaphore, #tpu.memory_space<semaphore_mem>>
        %dma_start3A_22 = arith.constant 0 : i32
        %dma_start3A_23 = tpu.memref_slice %arg4[%add3A_21, %dma_start3A_22] : memref<196608x128xf32, #tpu.memory_space<hbm>> -> memref<128x128xf32, #tpu.memory_space<hbm>>
        %dma_start3A_24 = arith.constant 0 : i32
        %dma_start3A_25 = tpu.memref_slice %arg4[%add3A_21, %dma_start3A_24] : memref<196608x128xf32, #tpu.memory_space<hbm>> -> memref<128x128xf32, #tpu.memory_space<hbm>>
        tpu.enqueue_dma source(%arg6 : memref<128x128xf32, #tpu.memory_space<vmem>>) target(%dma_start3A_25 : memref<128x128xf32, #tpu.memory_space<hbm>>) target_semaphore(%run_scoped3A : memref<!tpu.dma_semaphore, #tpu.memory_space<semaphore_mem>>)
        %dma_wait3A_26 = arith.constant 0 : i32
        %dma_wait3A_27 = tpu.memref_slice %arg4[%add3A_21, %dma_wait3A_26] : memref<196608x128xf32, #tpu.memory_space<hbm>> -> memref<128x128xf32, #tpu.memory_space<hbm>>
        %dma_wait3A_28 = arith.constant 0 : i32
        %dma_wait3A_29 = tpu.memref_slice %arg4[%add3A_21, %dma_wait3A_28] : memref<196608x128xf32, #tpu.memory_space<hbm>> -> memref<128x128xf32, #tpu.memory_space<hbm>>
        tpu.wait_dma2 semaphore(%run_scoped3A : memref<!tpu.dma_semaphore, #tpu.memory_space<semaphore_mem>>) src(%arg6 : memref<128x128xf32, #tpu.memory_space<vmem>>) dst(%dma_wait3A_29 : memref<128x128xf32, #tpu.memory_space<hbm>>)
        tpu.yield
      }) : () -> ()
    }
    %scan3A_7 = arith.constant 48 : i32
    return
  }
}

module attributes {stable_mosaic.version = 14 : i64} {
  func.func @_geo_kernel(%arg0: i32, %arg1: memref<4x6144xf32, #tpu.memory_space<vmem>>, %arg2: memref<3x6144xf32, #tpu.memory_space<vmem>>, %arg3: memref<1x6144xf32, #tpu.memory_space<vmem>>, %arg4: memref<20x6144xf32, #tpu.memory_space<vmem>>) attributes {dimension_semantics = [#tpu.dimension_semantics<arbitrary>], iteration_bounds = array<i64: 64>, scalar_prefetch = 0 : i64, scratch_operands = 0 : i64, tpu.core_type = #tpu.core_type<tc>, window_params = [{transform_indices = @transform_0, window_bounds = array<i64: 4, 6144>}, {transform_indices = @transform_1, window_bounds = array<i64: 3, 6144>}, {transform_indices = @transform_2, window_bounds = array<i64: 1, 6144>}, {transform_indices = @transform_3, window_bounds = array<i64: 20, 6144>}]} {
    %get3A = arith.constant 0 : index
    %get3A_0 = arith.constant 0 : index
    %get3A_1 = vector.load %arg1[%get3A, %get3A_0] : memref<4x6144xf32, #tpu.memory_space<vmem>>, vector<1x6144xf32>
    %get3A_2 = vector.shape_cast %get3A_1 : vector<1x6144xf32> to vector<6144xf32>
    %get3A_3 = arith.constant 0 : index
    %get3A_4 = arith.constant 0 : index
    %get3A_5 = vector.load %arg2[%get3A_3, %get3A_4] : memref<3x6144xf32, #tpu.memory_space<vmem>>, vector<1x6144xf32>
    %get3A_6 = vector.shape_cast %get3A_5 : vector<1x6144xf32> to vector<6144xf32>
    %sub3A = arith.subf %get3A_2, %get3A_6 : vector<6144xf32>
    %get3A_7 = arith.constant 1 : index
    %get3A_8 = arith.constant 0 : index
    %get3A_9 = vector.load %arg1[%get3A_7, %get3A_8] : memref<4x6144xf32, #tpu.memory_space<vmem>>, vector<1x6144xf32>
    %get3A_10 = vector.shape_cast %get3A_9 : vector<1x6144xf32> to vector<6144xf32>
    %get3A_11 = arith.constant 1 : index
    %get3A_12 = arith.constant 0 : index
    %get3A_13 = vector.load %arg2[%get3A_11, %get3A_12] : memref<3x6144xf32, #tpu.memory_space<vmem>>, vector<1x6144xf32>
    %get3A_14 = vector.shape_cast %get3A_13 : vector<1x6144xf32> to vector<6144xf32>
    %sub3A_15 = arith.subf %get3A_10, %get3A_14 : vector<6144xf32>
    %get3A_16 = arith.constant 2 : index
    %get3A_17 = arith.constant 0 : index
    %get3A_18 = vector.load %arg1[%get3A_16, %get3A_17] : memref<4x6144xf32, #tpu.memory_space<vmem>>, vector<1x6144xf32>
    %get3A_19 = vector.shape_cast %get3A_18 : vector<1x6144xf32> to vector<6144xf32>
    %get3A_20 = arith.constant 2 : index
    %get3A_21 = arith.constant 0 : index
    %get3A_22 = vector.load %arg2[%get3A_20, %get3A_21] : memref<3x6144xf32, #tpu.memory_space<vmem>>, vector<1x6144xf32>
    %get3A_23 = vector.shape_cast %get3A_22 : vector<1x6144xf32> to vector<6144xf32>
    %sub3A_24 = arith.subf %get3A_19, %get3A_23 : vector<6144xf32>
    %mul3A = arith.mulf %sub3A, %sub3A : vector<6144xf32>
    %mul3A_25 = arith.mulf %sub3A_15, %sub3A_15 : vector<6144xf32>
    %add3A = arith.addf %mul3A, %mul3A_25 : vector<6144xf32>
    %mul3A_26 = arith.mulf %sub3A_24, %sub3A_24 : vector<6144xf32>
    %add3A_27 = arith.addf %add3A, %mul3A_26 : vector<6144xf32>
    %add3A_28 = arith.constant 9.99999996E-13 : f32
    %add3A_29 = vector.broadcast %add3A_28 : f32 to vector<6144xf32>
    %add3A_30 = arith.addf %add3A_27, %add3A_29 : vector<6144xf32>
    %sqrt3A = math.sqrt %add3A_30 : vector<6144xf32>
    %div3A = arith.constant 1.000000e+00 : f32
    %div3A_31 = vector.broadcast %div3A : f32 to vector<6144xf32>
    %div3A_32 = arith.divf %div3A_31, %sqrt3A : vector<6144xf32>
    %mul3A_33 = arith.mulf %sub3A, %div3A_32 : vector<6144xf32>
    %swap3A = arith.constant 0 : index
    %swap3A_34 = arith.constant 0 : index
    %swap3A_35 = vector.load %arg4[%swap3A, %swap3A_34] : memref<20x6144xf32, #tpu.memory_space<vmem>>, vector<1x6144xf32>
    %swap3A_36 = vector.shape_cast %swap3A_35 : vector<1x6144xf32> to vector<6144xf32>
    %swap3A_37 = vector.shape_cast %mul3A_33 : vector<6144xf32> to vector<1x6144xf32>
    tpu.vector_store %arg4[%swap3A, %swap3A_34], %swap3A_37 {strides = array<i32>} : memref<20x6144xf32, #tpu.memory_space<vmem>>, vector<1x6144xf32>,
    %mul3A_38 = arith.mulf %sub3A_15, %div3A_32 : vector<6144xf32>
    %swap3A_39 = arith.constant 1 : index
    %swap3A_40 = arith.constant 0 : index
    %swap3A_41 = vector.load %arg4[%swap3A_39, %swap3A_40] : memref<20x6144xf32, #tpu.memory_space<vmem>>, vector<1x6144xf32>
    %swap3A_42 = vector.shape_cast %swap3A_41 : vector<1x6144xf32> to vector<6144xf32>
    %swap3A_43 = vector.shape_cast %mul3A_38 : vector<6144xf32> to vector<1x6144xf32>
    tpu.vector_store %arg4[%swap3A_39, %swap3A_40], %swap3A_43 {strides = array<i32>} : memref<20x6144xf32, #tpu.memory_space<vmem>>, vector<1x6144xf32>,
    %mul3A_44 = arith.mulf %sub3A_24, %div3A_32 : vector<6144xf32>
    %swap3A_45 = arith.constant 2 : index
    %swap3A_46 = arith.constant 0 : index
    %swap3A_47 = vector.load %arg4[%swap3A_45, %swap3A_46] : memref<20x6144xf32, #tpu.memory_space<vmem>>, vector<1x6144xf32>
    %swap3A_48 = vector.shape_cast %swap3A_47 : vector<1x6144xf32> to vector<6144xf32>
    %swap3A_49 = vector.shape_cast %mul3A_44 : vector<6144xf32> to vector<1x6144xf32>
    tpu.vector_store %arg4[%swap3A_45, %swap3A_46], %swap3A_49 {strides = array<i32>} : memref<20x6144xf32, #tpu.memory_space<vmem>>, vector<1x6144xf32>,
    %jit3A = arith.constant 0.000000e+00 : f32
    %jit3A_50 = arith.constant 5.000000e+00 : f32
    %max3A = vector.broadcast %jit3A : f32 to vector<6144xf32>
    %max3A_51 = arith.maximumf %max3A, %sqrt3A : vector<6144xf32>
    %min3A = vector.broadcast %jit3A_50 : f32 to vector<6144xf32>
    %min3A_52 = arith.minimumf %min3A, %max3A_51 : vector<6144xf32>
    %mul3A_53 = arith.constant 0.628318548 : f32
    %mul3A_54 = vector.broadcast %mul3A_53 : f32 to vector<6144xf32>
    %mul3A_55 = arith.mulf %min3A_52, %mul3A_54 : vector<6144xf32>
    %cos3A = math.cos %mul3A_55 : vector<6144xf32>
    %add3A_56 = arith.constant 1.000000e+00 : f32
    %add3A_57 = vector.broadcast %add3A_56 : f32 to vector<6144xf32>
    %add3A_58 = arith.addf %cos3A, %add3A_57 : vector<6144xf32>
    %mul3A_59 = arith.constant 5.000000e-01 : f32
    %mul3A_60 = vector.broadcast %mul3A_59 : f32 to vector<6144xf32>
    %mul3A_61 = arith.mulf %mul3A_60, %add3A_58 : vector<6144xf32>
    %lt3A = arith.constant 5.000000e+00 : f32
    %lt3A_62 = vector.broadcast %lt3A : f32 to vector<6144xf32>
    %lt3A_63 = arith.cmpf olt, %sqrt3A, %lt3A_62 : vector<6144xf32>
    %convert_element_type3A = arith.extui %lt3A_63 : vector<6144xi1> to vector<6144xi32>
    %convert_element_type3A_64 = arith.sitofp %convert_element_type3A : vector<6144xi32> to vector<6144xf32>
    %mul3A_65 = arith.mulf %mul3A_61, %convert_element_type3A_64 : vector<6144xf32>
    %get3A_66 = arith.constant 0 : index
    %get3A_67 = arith.constant 0 : index
    %get3A_68 = vector.load %arg3[%get3A_66, %get3A_67] : memref<1x6144xf32, #tpu.memory_space<vmem>>, vector<1x6144xf32>
    %get3A_69 = vector.shape_cast %get3A_68 : vector<1x6144xf32> to vector<6144xf32>
    %mul3A_70 = arith.mulf %get3A_69, %mul3A_65 : vector<6144xf32>
    %swap3A_71 = arith.constant 19 : index
    %swap3A_72 = arith.constant 0 : index
    %swap3A_73 = vector.load %arg4[%swap3A_71, %swap3A_72] : memref<20x6144xf32, #tpu.memory_space<vmem>>, vector<1x6144xf32>
    %swap3A_74 = vector.shape_cast %swap3A_73 : vector<1x6144xf32> to vector<6144xf32>
    %swap3A_75 = vector.shape_cast %mul3A_70 : vector<6144xf32> to vector<1x6144xf32>
    tpu.vector_store %arg4[%swap3A_71, %swap3A_72], %swap3A_75 {strides = array<i32>} : memref<20x6144xf32, #tpu.memory_space<vmem>>, vector<1x6144xf32>,
    %mul3A_76 = arith.constant 0.628318548 : f32
    %mul3A_77 = vector.broadcast %mul3A_76 : f32 to vector<6144xf32>
    %mul3A_78 = arith.mulf %sqrt3A, %mul3A_77 : vector<6144xf32>
    %mul3A_79 = arith.mulf %div3A_32, %mul3A_70 : vector<6144xf32>
    %mul3A_80 = arith.constant 1.000000e+00 : f32
    %mul3A_81 = vector.broadcast %mul3A_80 : f32 to vector<6144xf32>
    %mul3A_82 = arith.mulf %mul3A_81, %mul3A_78 : vector<6144xf32>
    %sin3A = math.sin %mul3A_82 : vector<6144xf32>
    %mul3A_83 = arith.mulf %sin3A, %mul3A_79 : vector<6144xf32>
    %swap3A_84 = arith.constant 3 : index
    %swap3A_85 = arith.constant 0 : index
    %swap3A_86 = vector.load %arg4[%swap3A_84, %swap3A_85] : memref<20x6144xf32, #tpu.memory_space<vmem>>, vector<1x6144xf32>
    %swap3A_87 = vector.shape_cast %swap3A_86 : vector<1x6144xf32> to vector<6144xf32>
    %swap3A_88 = vector.shape_cast %mul3A_83 : vector<6144xf32> to vector<1x6144xf32>
    tpu.vector_store %arg4[%swap3A_84, %swap3A_85], %swap3A_88 {strides = array<i32>} : memref<20x6144xf32, #tpu.memory_space<vmem>>, vector<1x6144xf32>,
    %mul3A_89 = arith.constant 2.000000e+00 : f32
    %mul3A_90 = vector.broadcast %mul3A_89 : f32 to vector<6144xf32>
    %mul3A_91 = arith.mulf %mul3A_90, %mul3A_78 : vector<6144xf32>
    %sin3A_92 = math.sin %mul3A_91 : vector<6144xf32>
    %mul3A_93 = arith.mulf %sin3A_92, %mul3A_79 : vector<6144xf32>
    %swap3A_94 = arith.constant 4 : index
    %swap3A_95 = arith.constant 0 : index
    %swap3A_96 = vector.load %arg4[%swap3A_94, %swap3A_95] : memref<20x6144xf32, #tpu.memory_space<vmem>>, vector<1x6144xf32>
    %swap3A_97 = vector.shape_cast %swap3A_96 : vector<1x6144xf32> to vector<6144xf32>
    %swap3A_98 = vector.shape_cast %mul3A_93 : vector<6144xf32> to vector<1x6144xf32>
    tpu.vector_store %arg4[%swap3A_94, %swap3A_95], %swap3A_98 {strides = array<i32>} : memref<20x6144xf32, #tpu.memory_space<vmem>>, vector<1x6144xf32>,
    %mul3A_99 = arith.constant 3.000000e+00 : f32
    %mul3A_100 = vector.broadcast %mul3A_99 : f32 to vector<6144xf32>
    %mul3A_101 = arith.mulf %mul3A_100, %mul3A_78 : vector<6144xf32>
    %sin3A_102 = math.sin %mul3A_101 : vector<6144xf32>
    %mul3A_103 = arith.mulf %sin3A_102, %mul3A_79 : vector<6144xf32>
    %swap3A_104 = arith.constant 5 : index
    %swap3A_105 = arith.constant 0 : index
    %swap3A_106 = vector.load %arg4[%swap3A_104, %swap3A_105] : memref<20x6144xf32, #tpu.memory_space<vmem>>, vector<1x6144xf32>
    %swap3A_107 = vector.shape_cast %swap3A_106 : vector<1x6144xf32> to vector<6144xf32>
    %swap3A_108 = vector.shape_cast %mul3A_103 : vector<6144xf32> to vector<1x6144xf32>
    tpu.vector_store %arg4[%swap3A_104, %swap3A_105], %swap3A_108 {strides = array<i32>} : memref<20x6144xf32, #tpu.memory_space<vmem>>, vector<1x6144xf32>,
    %mul3A_109 = arith.constant 4.000000e+00 : f32
    %mul3A_110 = vector.broadcast %mul3A_109 : f32 to vector<6144xf32>
    %mul3A_111 = arith.mulf %mul3A_110, %mul3A_78 : vector<6144xf32>
    %sin3A_112 = math.sin %mul3A_111 : vector<6144xf32>
    %mul3A_113 = arith.mulf %sin3A_112, %mul3A_79 : vector<6144xf32>
    %swap3A_114 = arith.constant 6 : index
    %swap3A_115 = arith.constant 0 : index
    %swap3A_116 = vector.load %arg4[%swap3A_114, %swap3A_115] : memref<20x6144xf32, #tpu.memory_space<vmem>>, vector<1x6144xf32>
    %swap3A_117 = vector.shape_cast %swap3A_116 : vector<1x6144xf32> to vector<6144xf32>
    %swap3A_118 = vector.shape_cast %mul3A_113 : vector<6144xf32> to vector<1x6144xf32>
    tpu.vector_store %arg4[%swap3A_114, %swap3A_115], %swap3A_118 {strides = array<i32>} : memref<20x6144xf32, #tpu.memory_space<vmem>>, vector<1x6144xf32>,
    %mul3A_119 = arith.constant 5.000000e+00 : f32
    %mul3A_120 = vector.broadcast %mul3A_119 : f32 to vector<6144xf32>
    %mul3A_121 = arith.mulf %mul3A_120, %mul3A_78 : vector<6144xf32>
    %sin3A_122 = math.sin %mul3A_121 : vector<6144xf32>
    %mul3A_123 = arith.mulf %sin3A_122, %mul3A_79 : vector<6144xf32>
    %swap3A_124 = arith.constant 7 : index
    %swap3A_125 = arith.constant 0 : index
    %swap3A_126 = vector.load %arg4[%swap3A_124, %swap3A_125] : memref<20x6144xf32, #tpu.memory_space<vmem>>, vector<1x6144xf32>
    %swap3A_127 = vector.shape_cast %swap3A_126 : vector<1x6144xf32> to vector<6144xf32>
    %swap3A_128 = vector.shape_cast %mul3A_123 : vector<6144xf32> to vector<1x6144xf32>
    tpu.vector_store %arg4[%swap3A_124, %swap3A_125], %swap3A_128 {strides = array<i32>} : memref<20x6144xf32, #tpu.memory_space<vmem>>, vector<1x6144xf32>,
    %mul3A_129 = arith.constant 6.000000e+00 : f32
    %mul3A_130 = vector.broadcast %mul3A_129 : f32 to vector<6144xf32>
    %mul3A_131 = arith.mulf %mul3A_130, %mul3A_78 : vector<6144xf32>
    %sin3A_132 = math.sin %mul3A_131 : vector<6144xf32>
    %mul3A_133 = arith.mulf %sin3A_132, %mul3A_79 : vector<6144xf32>
    %swap3A_134 = arith.constant 8 : index
    %swap3A_135 = arith.constant 0 : index
    %swap3A_136 = vector.load %arg4[%swap3A_134, %swap3A_135] : memref<20x6144xf32, #tpu.memory_space<vmem>>, vector<1x6144xf32>
    %swap3A_137 = vector.shape_cast %swap3A_136 : vector<1x6144xf32> to vector<6144xf32>
    %swap3A_138 = vector.shape_cast %mul3A_133 : vector<6144xf32> to vector<1x6144xf32>
    tpu.vector_store %arg4[%swap3A_134, %swap3A_135], %swap3A_138 {strides = array<i32>} : memref<20x6144xf32, #tpu.memory_space<vmem>>, vector<1x6144xf32>,
    %mul3A_139 = arith.constant 7.000000e+00 : f32
    %mul3A_140 = vector.broadcast %mul3A_139 : f32 to vector<6144xf32>
    %mul3A_141 = arith.mulf %mul3A_140, %mul3A_78 : vector<6144xf32>
    %sin3A_142 = math.sin %mul3A_141 : vector<6144xf32>
    %mul3A_143 = arith.mulf %sin3A_142, %mul3A_79 : vector<6144xf32>
    %swap3A_144 = arith.constant 9 : index
    %swap3A_145 = arith.constant 0 : index
    %swap3A_146 = vector.load %arg4[%swap3A_144, %swap3A_145] : memref<20x6144xf32, #tpu.memory_space<vmem>>, vector<1x6144xf32>
    %swap3A_147 = vector.shape_cast %swap3A_146 : vector<1x6144xf32> to vector<6144xf32>
    %swap3A_148 = vector.shape_cast %mul3A_143 : vector<6144xf32> to vector<1x6144xf32>
    tpu.vector_store %arg4[%swap3A_144, %swap3A_145], %swap3A_148 {strides = array<i32>} : memref<20x6144xf32, #tpu.memory_space<vmem>>, vector<1x6144xf32>,
    %mul3A_149 = arith.constant 8.000000e+00 : f32
    %mul3A_150 = vector.broadcast %mul3A_149 : f32 to vector<6144xf32>
    %mul3A_151 = arith.mulf %mul3A_150, %mul3A_78 : vector<6144xf32>
    %sin3A_152 = math.sin %mul3A_151 : vector<6144xf32>
    %mul3A_153 = arith.mulf %sin3A_152, %mul3A_79 : vector<6144xf32>
    %swap3A_154 = arith.constant 10 : index
    %swap3A_155 = arith.constant 0 : index
    %swap3A_156 = vector.load %arg4[%swap3A_154, %swap3A_155] : memref<20x6144xf32, #tpu.memory_space<vmem>>, vector<1x6144xf32>
    %swap3A_157 = vector.shape_cast %swap3A_156 : vector<1x6144xf32> to vector<6144xf32>
    %swap3A_158 = vector.shape_cast %mul3A_153 : vector<6144xf32> to vector<1x6144xf32>
    tpu.vector_store %arg4[%swap3A_154, %swap3A_155], %swap3A_158 {strides = array<i32>} : memref<20x6144xf32, #tpu.memory_space<vmem>>, vector<1x6144xf32>,
    %mul3A_159 = arith.constant 9.000000e+00 : f32
    %mul3A_160 = vector.broadcast %mul3A_159 : f32 to vector<6144xf32>
    %mul3A_161 = arith.mulf %mul3A_160, %mul3A_78 : vector<6144xf32>
    %sin3A_162 = math.sin %mul3A_161 : vector<6144xf32>
    %mul3A_163 = arith.mulf %sin3A_162, %mul3A_79 : vector<6144xf32>
    %swap3A_164 = arith.constant 11 : index
    %swap3A_165 = arith.constant 0 : index
    %swap3A_166 = vector.load %arg4[%swap3A_164, %swap3A_165] : memref<20x6144xf32, #tpu.memory_space<vmem>>, vector<1x6144xf32>
    %swap3A_167 = vector.shape_cast %swap3A_166 : vector<1x6144xf32> to vector<6144xf32>
    %swap3A_168 = vector.shape_cast %mul3A_163 : vector<6144xf32> to vector<1x6144xf32>
    tpu.vector_store %arg4[%swap3A_164, %swap3A_165], %swap3A_168 {strides = array<i32>} : memref<20x6144xf32, #tpu.memory_space<vmem>>, vector<1x6144xf32>,
    %mul3A_169 = arith.constant 1.000000e+01 : f32
    %mul3A_170 = vector.broadcast %mul3A_169 : f32 to vector<6144xf32>
    %mul3A_171 = arith.mulf %mul3A_170, %mul3A_78 : vector<6144xf32>
    %sin3A_172 = math.sin %mul3A_171 : vector<6144xf32>
    %mul3A_173 = arith.mulf %sin3A_172, %mul3A_79 : vector<6144xf32>
    %swap3A_174 = arith.constant 12 : index
    %swap3A_175 = arith.constant 0 : index
    %swap3A_176 = vector.load %arg4[%swap3A_174, %swap3A_175] : memref<20x6144xf32, #tpu.memory_space<vmem>>, vector<1x6144xf32>
    %swap3A_177 = vector.shape_cast %swap3A_176 : vector<1x6144xf32> to vector<6144xf32>
    %swap3A_178 = vector.shape_cast %mul3A_173 : vector<6144xf32> to vector<1x6144xf32>
    tpu.vector_store %arg4[%swap3A_174, %swap3A_175], %swap3A_178 {strides = array<i32>} : memref<20x6144xf32, #tpu.memory_space<vmem>>, vector<1x6144xf32>,
    %mul3A_179 = arith.constant 1.100000e+01 : f32
    %mul3A_180 = vector.broadcast %mul3A_179 : f32 to vector<6144xf32>
    %mul3A_181 = arith.mulf %mul3A_180, %mul3A_78 : vector<6144xf32>
    %sin3A_182 = math.sin %mul3A_181 : vector<6144xf32>
    %mul3A_183 = arith.mulf %sin3A_182, %mul3A_79 : vector<6144xf32>
    %swap3A_184 = arith.constant 13 : index
    %swap3A_185 = arith.constant 0 : index
    %swap3A_186 = vector.load %arg4[%swap3A_184, %swap3A_185] : memref<20x6144xf32, #tpu.memory_space<vmem>>, vector<1x6144xf32>
    %swap3A_187 = vector.shape_cast %swap3A_186 : vector<1x6144xf32> to vector<6144xf32>
    %swap3A_188 = vector.shape_cast %mul3A_183 : vector<6144xf32> to vector<1x6144xf32>
    tpu.vector_store %arg4[%swap3A_184, %swap3A_185], %swap3A_188 {strides = array<i32>} : memref<20x6144xf32, #tpu.memory_space<vmem>>, vector<1x6144xf32>,
    %mul3A_189 = arith.constant 1.200000e+01 : f32
    %mul3A_190 = vector.broadcast %mul3A_189 : f32 to vector<6144xf32>
    %mul3A_191 = arith.mulf %mul3A_190, %mul3A_78 : vector<6144xf32>
    %sin3A_192 = math.sin %mul3A_191 : vector<6144xf32>
    %mul3A_193 = arith.mulf %sin3A_192, %mul3A_79 : vector<6144xf32>
    %swap3A_194 = arith.constant 14 : index
    %swap3A_195 = arith.constant 0 : index
    %swap3A_196 = vector.load %arg4[%swap3A_194, %swap3A_195] : memref<20x6144xf32, #tpu.memory_space<vmem>>, vector<1x6144xf32>
    %swap3A_197 = vector.shape_cast %swap3A_196 : vector<1x6144xf32> to vector<6144xf32>
    %swap3A_198 = vector.shape_cast %mul3A_193 : vector<6144xf32> to vector<1x6144xf32>
    tpu.vector_store %arg4[%swap3A_194, %swap3A_195], %swap3A_198 {strides = array<i32>} : memref<20x6144xf32, #tpu.memory_space<vmem>>, vector<1x6144xf32>,
    %mul3A_199 = arith.constant 1.300000e+01 : f32
    %mul3A_200 = vector.broadcast %mul3A_199 : f32 to vector<6144xf32>
    %mul3A_201 = arith.mulf %mul3A_200, %mul3A_78 : vector<6144xf32>
    %sin3A_202 = math.sin %mul3A_201 : vector<6144xf32>
    %mul3A_203 = arith.mulf %sin3A_202, %mul3A_79 : vector<6144xf32>
    %swap3A_204 = arith.constant 15 : index
    %swap3A_205 = arith.constant 0 : index
    %swap3A_206 = vector.load %arg4[%swap3A_204, %swap3A_205] : memref<20x6144xf32, #tpu.memory_space<vmem>>, vector<1x6144xf32>
    %swap3A_207 = vector.shape_cast %swap3A_206 : vector<1x6144xf32> to vector<6144xf32>
    %swap3A_208 = vector.shape_cast %mul3A_203 : vector<6144xf32> to vector<1x6144xf32>
    tpu.vector_store %arg4[%swap3A_204, %swap3A_205], %swap3A_208 {strides = array<i32>} : memref<20x6144xf32, #tpu.memory_space<vmem>>, vector<1x6144xf32>,
    %mul3A_209 = arith.constant 1.400000e+01 : f32
    %mul3A_210 = vector.broadcast %mul3A_209 : f32 to vector<6144xf32>
    %mul3A_211 = arith.mulf %mul3A_210, %mul3A_78 : vector<6144xf32>
    %sin3A_212 = math.sin %mul3A_211 : vector<6144xf32>
    %mul3A_213 = arith.mulf %sin3A_212, %mul3A_79 : vector<6144xf32>
    %swap3A_214 = arith.constant 16 : index
    %swap3A_215 = arith.constant 0 : index
    %swap3A_216 = vector.load %arg4[%swap3A_214, %swap3A_215] : memref<20x6144xf32, #tpu.memory_space<vmem>>, vector<1x6144xf32>
    %swap3A_217 = vector.shape_cast %swap3A_216 : vector<1x6144xf32> to vector<6144xf32>
    %swap3A_218 = vector.shape_cast %mul3A_213 : vector<6144xf32> to vector<1x6144xf32>
    tpu.vector_store %arg4[%swap3A_214, %swap3A_215], %swap3A_218 {strides = array<i32>} : memref<20x6144xf32, #tpu.memory_space<vmem>>, vector<1x6144xf32>,
    %mul3A_219 = arith.constant 1.500000e+01 : f32
    %mul3A_220 = vector.broadcast %mul3A_219 : f32 to vector<6144xf32>
    %mul3A_221 = arith.mulf %mul3A_220, %mul3A_78 : vector<6144xf32>
    %sin3A_222 = math.sin %mul3A_221 : vector<6144xf32>
    %mul3A_223 = arith.mulf %sin3A_222, %mul3A_79 : vector<6144xf32>
    %swap3A_224 = arith.constant 17 : index
    %swap3A_225 = arith.constant 0 : index
    %swap3A_226 = vector.load %arg4[%swap3A_224, %swap3A_225] : memref<20x6144xf32, #tpu.memory_space<vmem>>, vector<1x6144xf32>
    %swap3A_227 = vector.shape_cast %swap3A_226 : vector<1x6144xf32> to vector<6144xf32>
    %swap3A_228 = vector.shape_cast %mul3A_223 : vector<6144xf32> to vector<1x6144xf32>
    tpu.vector_store %arg4[%swap3A_224, %swap3A_225], %swap3A_228 {strides = array<i32>} : memref<20x6144xf32, #tpu.memory_space<vmem>>, vector<1x6144xf32>,
    %mul3A_229 = arith.constant 1.600000e+01 : f32
    %mul3A_230 = vector.broadcast %mul3A_229 : f32 to vector<6144xf32>
    %mul3A_231 = arith.mulf %mul3A_230, %mul3A_78 : vector<6144xf32>
    %sin3A_232 = math.sin %mul3A_231 : vector<6144xf32>
    %mul3A_233 = arith.mulf %sin3A_232, %mul3A_79 : vector<6144xf32>
    %swap3A_234 = arith.constant 18 : index
    %swap3A_235 = arith.constant 0 : index
    %swap3A_236 = vector.load %arg4[%swap3A_234, %swap3A_235] : memref<20x6144xf32, #tpu.memory_space<vmem>>, vector<1x6144xf32>
    %swap3A_237 = vector.shape_cast %swap3A_236 : vector<1x6144xf32> to vector<6144xf32>
    %swap3A_238 = vector.shape_cast %mul3A_233 : vector<6144xf32> to vector<1x6144xf32>
    tpu.vector_store %arg4[%swap3A_234, %swap3A_235], %swap3A_238 {strides = array<i32>} : memref<20x6144xf32, #tpu.memory_space<vmem>>, vector<1x6144xf32>,
    return
  }
  func.func @transform_0(%arg0: i32) -> (i32, i32) {
    %c0_i32 = arith.constant 0 : i32
    %c0_i32_0 = arith.constant 0 : i32
    return %c0_i32, %arg0 : i32, i32
  }
  func.func @transform_1(%arg0: i32) -> (i32, i32) {
    %c0_i32 = arith.constant 0 : i32
    %c0_i32_0 = arith.constant 0 : i32
    return %c0_i32, %arg0 : i32, i32
  }
  func.func @transform_2(%arg0: i32) -> (i32, i32) {
    %c0_i32 = arith.constant 0 : i32
    %c0_i32_0 = arith.constant 0 : i32
    return %c0_i32, %arg0 : i32, i32
  }
  func.func @transform_3(%arg0: i32) -> (i32, i32) {
    %c0_i32 = arith.constant 0 : i32
    %c0_i32_0 = arith.constant 0 : i32
    return %c0_i32, %arg0 : i32, i32
  }
}

module attributes {stable_mosaic.version = 14 : i64} {
  func.func @_layer0_kernel(%arg0: i32, %arg1: memref<20x6144xf32, #tpu.memory_space<vmem>>, %arg2: memref<6144x1xf32, #tpu.memory_space<vmem>>, %arg3: memref<128x1xf32, #tpu.memory_space<vmem>>, %arg4: memref<100x128xf32, #tpu.memory_space<vmem>>, %arg5: memref<6144x100xf32, #tpu.memory_space<vmem>>, %arg6: memref<4x128xf32, #tpu.memory_space<vmem>>, %arg7: memref<17x128xf32, #tpu.memory_space<vmem>>, %arg8: memref<32x32xf32, #tpu.memory_space<vmem>>, %arg9: memref<32x32xf32, #tpu.memory_space<vmem>>, %arg10: memref<1x32xf32, #tpu.memory_space<vmem>>, %arg11: memref<32x32xf32, #tpu.memory_space<vmem>>, %arg12: memref<32x32xf32, #tpu.memory_space<vmem>>, %arg13: memref<1x32xf32, #tpu.memory_space<vmem>>, %arg14: memref<128x128xf32, #tpu.memory_space<vmem>>) attributes {dimension_semantics = [#tpu.dimension_semantics<arbitrary>], iteration_bounds = array<i64: 64>, scalar_prefetch = 0 : i64, scratch_operands = 0 : i64, tpu.core_type = #tpu.core_type<tc>, window_params = [{transform_indices = @transform_0, window_bounds = array<i64: 20, 6144>}, {transform_indices = @transform_1, window_bounds = array<i64: 6144, 1>}, {transform_indices = @transform_2, window_bounds = array<i64: 128, 1>}, {pipeline_mode = #tpu.pipeline_mode<synchronous>, transform_indices = @transform_3, window_bounds = array<i64: 100, 128>}, {pipeline_mode = #tpu.pipeline_mode<synchronous>, transform_indices = @transform_4, window_bounds = array<i64: 6144, 100>}, {pipeline_mode = #tpu.pipeline_mode<synchronous>, transform_indices = @transform_5, window_bounds = array<i64: 4, 128>}, {pipeline_mode = #tpu.pipeline_mode<synchronous>, transform_indices = @transform_6, window_bounds = array<i64: 17, 128>}, {pipeline_mode = #tpu.pipeline_mode<synchronous>, transform_indices = @transform_7, window_bounds = array<i64: 32, 32>}, {pipeline_mode = #tpu.pipeline_mode<synchronous>, transform_indices = @transform_8, window_bounds = array<i64: 32, 32>}, {pipeline_mode = #tpu.pipeline_mode<synchronous>, transform_indices = @transform_9, window_bounds = array<i64: 1, 32>}, {pipeline_mode = #tpu.pipeline_mode<synchronous>, transform_indices = @transform_10, window_bounds = array<i64: 32, 32>}, {pipeline_mode = #tpu.pipeline_mode<synchronous>, transform_indices = @transform_11, window_bounds = array<i64: 32, 32>}, {pipeline_mode = #tpu.pipeline_mode<synchronous>, transform_indices = @transform_12, window_bounds = array<i64: 1, 32>}, {transform_indices = @transform_13, window_bounds = array<i64: 128, 128>}]} {
    %get3A = arith.constant 0 : index
    %get3A_0 = arith.constant 0 : index
    %get3A_1 = vector.load %arg1[%get3A, %get3A_0] : memref<20x6144xf32, #tpu.memory_space<vmem>>, vector<20x6144xf32>
    %slice3A = vector.extract_strided_slice %get3A_1 {offsets = [3, 0], sizes = [17, 6144], strides = [1, 1]} : vector<20x6144xf32> to vector<17x6144xf32>
    %convert_element_type3A = arith.truncf %slice3A : vector<17x6144xf32> to vector<17x6144xbf16>
    %transpose3A = tpu.transpose %convert_element_type3A, [1, 0] : vector<17x6144xbf16> -> vector<6144x17xbf16>
    %get3A_2 = arith.constant 0 : index
    %get3A_3 = arith.constant 0 : index
    %get3A_4 = vector.load %arg7[%get3A_2, %get3A_3] : memref<17x128xf32, #tpu.memory_space<vmem>>, vector<17x128xf32>
    %convert_element_type3A_5 = arith.truncf %get3A_4 : vector<17x128xf32> to vector<17x128xbf16>
    %dot_general3A = arith.constant dense<0.000000e+00> : vector<6144x128xf32>
    %dot_general3A_6 = tpu.matmul %transpose3A, %convert_element_type3A_5, %dot_general3A {dimension_numbers = #tpu.dot_dimension_numbers<[1], [0], [0], [1], [0, 0, 1, 1], [], []>, transpose_lhs_hint = false} : vector<6144x17xbf16>, vector<17x128xbf16>, vector<6144x128xf32> -> vector<6144x128xf32>
    %get3A_7 = arith.constant 0 : index
    %get3A_8 = arith.constant 0 : index
    %get3A_9 = vector.load %arg5[%get3A_7, %get3A_8] : memref<6144x100xf32, #tpu.memory_space<vmem>>, vector<6144x100xf32>
    %get3A_10 = arith.constant 0 : index
    %get3A_11 = arith.constant 0 : index
    %get3A_12 = vector.load %arg2[%get3A_10, %get3A_11] : memref<6144x1xf32, #tpu.memory_space<vmem>>, vector<6144x1xf32>
    %eq3A = vector.broadcast %get3A_12 : vector<6144x1xf32> to vector<6144x100xf32>
    %eq3A_13 = arith.cmpf oeq, %get3A_9, %eq3A : vector<6144x100xf32>
    %convert_element_type3A_14 = arith.extui %eq3A_13 : vector<6144x100xi1> to vector<6144x100xi32>
    %convert_element_type3A_15 = arith.sitofp %convert_element_type3A_14 : vector<6144x100xi32> to vector<6144x100xf32>
    %convert_element_type3A_16 = arith.truncf %convert_element_type3A_15 : vector<6144x100xf32> to vector<6144x100xbf16>
    %get3A_17 = arith.constant 0 : index
    %get3A_18 = arith.constant 0 : index
    %get3A_19 = vector.load %arg4[%get3A_17, %get3A_18] : memref<100x128xf32, #tpu.memory_space<vmem>>, vector<100x128xf32>
    %convert_element_type3A_20 = arith.truncf %get3A_19 : vector<100x128xf32> to vector<100x128xbf16>
    %dot_general3A_21 = arith.constant dense<0.000000e+00> : vector<6144x128xf32>
    %dot_general3A_22 = tpu.matmul %convert_element_type3A_16, %convert_element_type3A_20, %dot_general3A_21 {dimension_numbers = #tpu.dot_dimension_numbers<[1], [0], [0], [1], [0, 0, 1, 1], [], []>, transpose_lhs_hint = false} : vector<6144x100xbf16>, vector<100x128xbf16>, vector<6144x128xf32> -> vector<6144x128xf32>
    %broadcast_in_dim3A = arith.constant 1.000000e+00 : bf16
    %broadcast_in_dim3A_23 = vector.broadcast %broadcast_in_dim3A : bf16 to vector<1x6144xbf16>
    %slice3A_24 = vector.extract_strided_slice %get3A_1 {offsets = [0, 0], sizes = [3, 6144], strides = [1, 1]} : vector<20x6144xf32> to vector<3x6144xf32>
    %convert_element_type3A_25 = arith.truncf %slice3A_24 : vector<3x6144xf32> to vector<3x6144xbf16>
    %concatenate3A = tpu.concatenate %broadcast_in_dim3A_23, %convert_element_type3A_25 in 0 : vector<1x6144xbf16>, vector<3x6144xbf16> -> vector<4x6144xbf16>
    %transpose3A_26 = tpu.transpose %concatenate3A, [1, 0] : vector<4x6144xbf16> -> vector<6144x4xbf16>
    %get3A_27 = arith.constant 0 : index
    %get3A_28 = arith.constant 0 : index
    %get3A_29 = vector.load %arg6[%get3A_27, %get3A_28] : memref<4x128xf32, #tpu.memory_space<vmem>>, vector<4x128xf32>
    %convert_element_type3A_30 = arith.truncf %get3A_29 : vector<4x128xf32> to vector<4x128xbf16>
    %dot_general3A_31 = arith.constant dense<0.000000e+00> : vector<6144x128xf32>
    %dot_general3A_32 = tpu.matmul %transpose3A_26, %convert_element_type3A_30, %dot_general3A_31 {dimension_numbers = #tpu.dot_dimension_numbers<[1], [0], [0], [1], [0, 0, 1, 1], [], []>, transpose_lhs_hint = false} : vector<6144x4xbf16>, vector<4x128xbf16>, vector<6144x128xf32> -> vector<6144x128xf32>
    %mul3A = arith.mulf %dot_general3A_6, %dot_general3A_22 : vector<6144x128xf32>
    %mul3A_33 = arith.mulf %mul3A, %dot_general3A_32 : vector<6144x128xf32>
    %reshape3A = vector.shape_cast %mul3A_33 : vector<6144x128xf32> to vector<128x48x128xf32>
    %reduce_sum3A = arith.constant dense<0.000000e+00> : vector<128x128xf32>
    %reduce_sum3A_34 = vector.multi_reduction <add>, %reshape3A, %reduce_sum3A [1] : vector<128x48x128xf32> to vector<128x128xf32>
    %slice3A_35 = vector.extract_strided_slice %reduce_sum3A_34 {offsets = [0, 0], sizes = [128, 32], strides = [1, 1]} : vector<128x128xf32> to vector<128x32xf32>
    %slice3A_36 = vector.extract_strided_slice %reduce_sum3A_34 {offsets = [0, 32], sizes = [128, 32], strides = [1, 1]} : vector<128x128xf32> to vector<128x32xf32>
    %slice3A_37 = vector.extract_strided_slice %reduce_sum3A_34 {offsets = [0, 64], sizes = [128, 32], strides = [1, 1]} : vector<128x128xf32> to vector<128x32xf32>
    %slice3A_38 = vector.extract_strided_slice %reduce_sum3A_34 {offsets = [0, 96], sizes = [128, 32], strides = [1, 1]} : vector<128x128xf32> to vector<128x32xf32>
    %get3A_39 = arith.constant 0 : index
    %get3A_40 = arith.constant 0 : index
    %get3A_41 = vector.load %arg5[%get3A_39, %get3A_40] : memref<6144x100xf32, #tpu.memory_space<vmem>>, vector<6144x100xf32>
    %slice3A_42 = vector.extract_strided_slice %get3A_41 {offsets = [0, 0], sizes = [128, 100], strides = [1, 1]} : vector<6144x100xf32> to vector<128x100xf32>
    %get3A_43 = arith.constant 0 : index
    %get3A_44 = arith.constant 0 : index
    %get3A_45 = vector.load %arg3[%get3A_43, %get3A_44] : memref<128x1xf32, #tpu.memory_space<vmem>>, vector<128x1xf32>
    %eq3A_46 = vector.broadcast %get3A_45 : vector<128x1xf32> to vector<128x100xf32>
    %eq3A_47 = arith.cmpf oeq, %slice3A_42, %eq3A_46 : vector<128x100xf32>
    %convert_element_type3A_48 = arith.extui %eq3A_47 : vector<128x100xi1> to vector<128x100xi32>
    %convert_element_type3A_49 = arith.sitofp %convert_element_type3A_48 : vector<128x100xi32> to vector<128x100xf32>
    %get3A_50 = arith.constant 0 : index
    %get3A_51 = arith.constant 0 : index
    %get3A_52 = vector.load %arg4[%get3A_50, %get3A_51] : memref<100x128xf32, #tpu.memory_space<vmem>>, vector<100x128xf32>
    %slice3A_53 = vector.extract_strided_slice %get3A_52 {offsets = [0, 0], sizes = [100, 32], strides = [1, 1]} : vector<100x128xf32> to vector<100x32xf32>
    %dot_general3A_54 = arith.constant dense<0.000000e+00> : vector<128x32xf32>
    %dot_general3A_55 = tpu.matmul %convert_element_type3A_49, %slice3A_53, %dot_general3A_54 {dimension_numbers = #tpu.dot_dimension_numbers<[1], [0], [0], [1], [0, 0, 1, 1], [], []>, transpose_lhs_hint = false} : vector<128x100xf32>, vector<100x32xf32>, vector<128x32xf32> -> vector<128x32xf32>
    %get3A_56 = arith.constant 0 : index
    %get3A_57 = arith.constant 0 : index
    %get3A_58 = vector.load %arg8[%get3A_56, %get3A_57] : memref<32x32xf32, #tpu.memory_space<vmem>>, vector<32x32xf32>
    %dot_general3A_59 = arith.constant dense<0.000000e+00> : vector<128x32xf32>
    %dot_general3A_60 = tpu.matmul %slice3A_35, %get3A_58, %dot_general3A_59 {dimension_numbers = #tpu.dot_dimension_numbers<[1], [0], [0], [1], [0, 0, 1, 1], [], []>, transpose_lhs_hint = false} : vector<128x32xf32>, vector<32x32xf32>, vector<128x32xf32> -> vector<128x32xf32>
    %get3A_61 = arith.constant 0 : index
    %get3A_62 = arith.constant 0 : index
    %get3A_63 = vector.load %arg9[%get3A_61, %get3A_62] : memref<32x32xf32, #tpu.memory_space<vmem>>, vector<32x32xf32>
    %dot_general3A_64 = arith.constant dense<0.000000e+00> : vector<128x32xf32>
    %dot_general3A_65 = tpu.matmul %dot_general3A_55, %get3A_63, %dot_general3A_64 {dimension_numbers = #tpu.dot_dimension_numbers<[1], [0], [0], [1], [0, 0, 1, 1], [], []>, transpose_lhs_hint = false} : vector<128x32xf32>, vector<32x32xf32>, vector<128x32xf32> -> vector<128x32xf32>
    %add3A = arith.addf %dot_general3A_60, %dot_general3A_65 : vector<128x32xf32>
    %get3A_66 = arith.constant 0 : index
    %get3A_67 = arith.constant 0 : index
    %get3A_68 = vector.load %arg10[%get3A_66, %get3A_67] : memref<1x32xf32, #tpu.memory_space<vmem>>, vector<1x32xf32>
    %add3A_69 = vector.broadcast %get3A_68 : vector<1x32xf32> to vector<128x32xf32>
    %add3A_70 = arith.addf %add3A, %add3A_69 : vector<128x32xf32>
    %neg3A = arith.constant 0.000000e+00 : f32
    %neg3A_71 = vector.broadcast %neg3A : f32 to vector<128x32xf32>
    %neg3A_72 = arith.subf %neg3A_71, %add3A_70 : vector<128x32xf32>
    %exp3A = math.exp %neg3A_72 : vector<128x32xf32>
    %add3A_73 = arith.constant 1.000000e+00 : f32
    %add3A_74 = vector.broadcast %add3A_73 : f32 to vector<128x32xf32>
    %add3A_75 = arith.addf %add3A_74, %exp3A : vector<128x32xf32>
    %div3A = arith.constant 1.000000e+00 : f32
    %div3A_76 = vector.broadcast %div3A : f32 to vector<128x32xf32>
    %div3A_77 = arith.divf %div3A_76, %add3A_75 : vector<128x32xf32>
    %mul3A_78 = arith.mulf %add3A_70, %div3A_77 : vector<128x32xf32>
    %get3A_79 = arith.constant 0 : index
    %get3A_80 = arith.constant 0 : index
    %get3A_81 = vector.load %arg12[%get3A_79, %get3A_80] : memref<32x32xf32, #tpu.memory_space<vmem>>, vector<32x32xf32>
    %dot_general3A_82 = arith.constant dense<0.000000e+00> : vector<128x32xf32>
    %dot_general3A_83 = tpu.matmul %slice3A_35, %get3A_81, %dot_general3A_82 {dimension_numbers = #tpu.dot_dimension_numbers<[1], [0], [0], [1], [0, 0, 1, 1], [], []>, transpose_lhs_hint = false} : vector<128x32xf32>, vector<32x32xf32>, vector<128x32xf32> -> vector<128x32xf32>
    %get3A_84 = arith.constant 0 : index
    %get3A_85 = arith.constant 0 : index
    %get3A_86 = vector.load %arg13[%get3A_84, %get3A_85] : memref<1x32xf32, #tpu.memory_space<vmem>>, vector<1x32xf32>
    %add3A_87 = vector.broadcast %get3A_86 : vector<1x32xf32> to vector<128x32xf32>
    %add3A_88 = arith.addf %dot_general3A_83, %add3A_87 : vector<128x32xf32>
    %neg3A_89 = arith.constant 0.000000e+00 : f32
    %neg3A_90 = vector.broadcast %neg3A_89 : f32 to vector<128x32xf32>
    %neg3A_91 = arith.subf %neg3A_90, %add3A_88 : vector<128x32xf32>
    %exp3A_92 = math.exp %neg3A_91 : vector<128x32xf32>
    %add3A_93 = arith.constant 1.000000e+00 : f32
    %add3A_94 = vector.broadcast %add3A_93 : f32 to vector<128x32xf32>
    %add3A_95 = arith.addf %add3A_94, %exp3A_92 : vector<128x32xf32>
    %div3A_96 = arith.constant 1.000000e+00 : f32
    %div3A_97 = vector.broadcast %div3A_96 : f32 to vector<128x32xf32>
    %div3A_98 = arith.divf %div3A_97, %add3A_95 : vector<128x32xf32>
    %mul3A_99 = arith.mulf %add3A_88, %div3A_98 : vector<128x32xf32>
    %get3A_100 = arith.constant 0 : index
    %get3A_101 = arith.constant 0 : index
    %get3A_102 = vector.load %arg11[%get3A_100, %get3A_101] : memref<32x32xf32, #tpu.memory_space<vmem>>, vector<32x32xf32>
    %dot_general3A_103 = arith.constant dense<0.000000e+00> : vector<128x32xf32>
    %dot_general3A_104 = tpu.matmul %slice3A_36, %get3A_102, %dot_general3A_103 {dimension_numbers = #tpu.dot_dimension_numbers<[1], [0], [0], [1], [0, 0, 1, 1], [], []>, transpose_lhs_hint = false} : vector<128x32xf32>, vector<32x32xf32>, vector<128x32xf32> -> vector<128x32xf32>
    %mul3A_105 = arith.mulf %dot_general3A_104, %mul3A_99 : vector<128x32xf32>
    %dot_general3A_106 = arith.constant dense<0.000000e+00> : vector<128x32xf32>
    %dot_general3A_107 = tpu.matmul %slice3A_37, %get3A_102, %dot_general3A_106 {dimension_numbers = #tpu.dot_dimension_numbers<[1], [0], [0], [1], [0, 0, 1, 1], [], []>, transpose_lhs_hint = false} : vector<128x32xf32>, vector<32x32xf32>, vector<128x32xf32> -> vector<128x32xf32>
    %mul3A_108 = arith.mulf %dot_general3A_107, %mul3A_99 : vector<128x32xf32>
    %dot_general3A_109 = arith.constant dense<0.000000e+00> : vector<128x32xf32>
    %dot_general3A_110 = tpu.matmul %slice3A_38, %get3A_102, %dot_general3A_109 {dimension_numbers = #tpu.dot_dimension_numbers<[1], [0], [0], [1], [0, 0, 1, 1], [], []>, transpose_lhs_hint = false} : vector<128x32xf32>, vector<32x32xf32>, vector<128x32xf32> -> vector<128x32xf32>
    %mul3A_111 = arith.mulf %dot_general3A_110, %mul3A_99 : vector<128x32xf32>
    %concatenate3A_112 = tpu.concatenate %mul3A_78, %mul3A_105, %mul3A_108, %mul3A_111 in 1 : vector<128x32xf32>, vector<128x32xf32>, vector<128x32xf32>, vector<128x32xf32> -> vector<128x128xf32>
    %swap3A = arith.constant 0 : index
    %swap3A_113 = arith.constant 0 : index
    %swap3A_114 = vector.load %arg14[%swap3A, %swap3A_113] : memref<128x128xf32, #tpu.memory_space<vmem>>, vector<128x128xf32>
    tpu.vector_store %arg14[%swap3A, %swap3A_113], %concatenate3A_112 {strides = array<i32>} : memref<128x128xf32, #tpu.memory_space<vmem>>, vector<128x128xf32>,
    return
  }
  func.func @transform_0(%arg0: i32) -> (i32, i32) {
    %c0_i32 = arith.constant 0 : i32
    %c0_i32_0 = arith.constant 0 : i32
    return %c0_i32, %arg0 : i32, i32
  }
  func.func @transform_1(%arg0: i32) -> (i32, i32) {
    %c0_i32 = arith.constant 0 : i32
    %c0_i32_0 = arith.constant 0 : i32
    return %arg0, %c0_i32 : i32, i32
  }
  func.func @transform_2(%arg0: i32) -> (i32, i32) {
    %c0_i32 = arith.constant 0 : i32
    %c0_i32_0 = arith.constant 0 : i32
    return %arg0, %c0_i32 : i32, i32
  }
  func.func @transform_3(%arg0: i32) -> (i32, i32) {
    %c0_i32 = arith.constant 0 : i32
    %c0_i32_0 = arith.constant 0 : i32
    %c0_i32_1 = arith.constant 0 : i32
    return %c0_i32, %c0_i32_0 : i32, i32
  }
  func.func @transform_4(%arg0: i32) -> (i32, i32) {
    %c0_i32 = arith.constant 0 : i32
    %c0_i32_0 = arith.constant 0 : i32
    %c0_i32_1 = arith.constant 0 : i32
    return %c0_i32, %c0_i32_0 : i32, i32
  }
  func.func @transform_5(%arg0: i32) -> (i32, i32) {
    %c0_i32 = arith.constant 0 : i32
    %c0_i32_0 = arith.constant 0 : i32
    %c0_i32_1 = arith.constant 0 : i32
    return %c0_i32, %c0_i32_0 : i32, i32
  }
  func.func @transform_6(%arg0: i32) -> (i32, i32) {
    %c0_i32 = arith.constant 0 : i32
    %c0_i32_0 = arith.constant 0 : i32
    %c0_i32_1 = arith.constant 0 : i32
    return %c0_i32, %c0_i32_0 : i32, i32
  }
  func.func @transform_7(%arg0: i32) -> (i32, i32) {
    %c0_i32 = arith.constant 0 : i32
    %c0_i32_0 = arith.constant 0 : i32
    %c0_i32_1 = arith.constant 0 : i32
    return %c0_i32, %c0_i32_0 : i32, i32
  }
  func.func @transform_8(%arg0: i32) -> (i32, i32) {
    %c0_i32 = arith.constant 0 : i32
    %c0_i32_0 = arith.constant 0 : i32
    %c0_i32_1 = arith.constant 0 : i32
    return %c0_i32, %c0_i32_0 : i32, i32
  }
  func.func @transform_9(%arg0: i32) -> (i32, i32) {
    %c0_i32 = arith.constant 0 : i32
    %c0_i32_0 = arith.constant 0 : i32
    %c0_i32_1 = arith.constant 0 : i32
    return %c0_i32, %c0_i32_0 : i32, i32
  }
  func.func @transform_10(%arg0: i32) -> (i32, i32) {
    %c0_i32 = arith.constant 0 : i32
    %c0_i32_0 = arith.constant 0 : i32
    %c0_i32_1 = arith.constant 0 : i32
    return %c0_i32, %c0_i32_0 : i32, i32
  }
  func.func @transform_11(%arg0: i32) -> (i32, i32) {
    %c0_i32 = arith.constant 0 : i32
    %c0_i32_0 = arith.constant 0 : i32
    %c0_i32_1 = arith.constant 0 : i32
    return %c0_i32, %c0_i32_0 : i32, i32
  }
  func.func @transform_12(%arg0: i32) -> (i32, i32) {
    %c0_i32 = arith.constant 0 : i32
    %c0_i32_0 = arith.constant 0 : i32
    %c0_i32_1 = arith.constant 0 : i32
    return %c0_i32, %c0_i32_0 : i32, i32
  }
  func.func @transform_13(%arg0: i32) -> (i32, i32) {
    %c0_i32 = arith.constant 0 : i32
    %c0_i32_0 = arith.constant 0 : i32
    return %arg0, %c0_i32 : i32, i32
  }
}

module attributes {stable_mosaic.version = 14 : i64} {
  func.func @_layer1_kernel(%arg0: i32, %arg1: memref<20x6144xf32, #tpu.memory_space<vmem>>, %arg2: memref<6144x128xf32, #tpu.memory_space<vmem>>, %arg3: memref<128x128xf32, #tpu.memory_space<vmem>>, %arg4: memref<4x128xf32, #tpu.memory_space<vmem>>, %arg5: memref<17x128xf32, #tpu.memory_space<vmem>>, %arg6: memref<32x32xf32, #tpu.memory_space<vmem>>, %arg7: memref<32x32xf32, #tpu.memory_space<vmem>>, %arg8: memref<1x32xf32, #tpu.memory_space<vmem>>, %arg9: memref<32x8xf32, #tpu.memory_space<vmem>>, %arg10: memref<128x8xf32, #tpu.memory_space<vmem>>) attributes {dimension_semantics = [#tpu.dimension_semantics<arbitrary>], iteration_bounds = array<i64: 32>, scalar_prefetch = 0 : i64, scratch_operands = 0 : i64, tpu.core_type = #tpu.core_type<tc>, window_params = [{transform_indices = @transform_0, window_bounds = array<i64: 20, 6144>}, {transform_indices = @transform_1, window_bounds = array<i64: 6144, 128>}, {transform_indices = @transform_2, window_bounds = array<i64: 128, 128>}, {pipeline_mode = #tpu.pipeline_mode<synchronous>, transform_indices = @transform_3, window_bounds = array<i64: 4, 128>}, {pipeline_mode = #tpu.pipeline_mode<synchronous>, transform_indices = @transform_4, window_bounds = array<i64: 17, 128>}, {pipeline_mode = #tpu.pipeline_mode<synchronous>, transform_indices = @transform_5, window_bounds = array<i64: 32, 32>}, {pipeline_mode = #tpu.pipeline_mode<synchronous>, transform_indices = @transform_6, window_bounds = array<i64: 32, 32>}, {pipeline_mode = #tpu.pipeline_mode<synchronous>, transform_indices = @transform_7, window_bounds = array<i64: 1, 32>}, {pipeline_mode = #tpu.pipeline_mode<synchronous>, transform_indices = @transform_8, window_bounds = array<i64: 32, 8>}, {transform_indices = @transform_9, window_bounds = array<i64: 128, 8>}]} {
    %get3A = arith.constant 0 : index
    %get3A_0 = arith.constant 0 : index
    %get3A_1 = vector.load %arg1[%get3A, %get3A_0] : memref<20x6144xf32, #tpu.memory_space<vmem>>, vector<20x6144xf32>
    %slice3A = vector.extract_strided_slice %get3A_1 {offsets = [3, 0], sizes = [17, 6144], strides = [1, 1]} : vector<20x6144xf32> to vector<17x6144xf32>
    %convert_element_type3A = arith.truncf %slice3A : vector<17x6144xf32> to vector<17x6144xbf16>
    %transpose3A = tpu.transpose %convert_element_type3A, [1, 0] : vector<17x6144xbf16> -> vector<6144x17xbf16>
    %get3A_2 = arith.constant 0 : index
    %get3A_3 = arith.constant 0 : index
    %get3A_4 = vector.load %arg5[%get3A_2, %get3A_3] : memref<17x128xf32, #tpu.memory_space<vmem>>, vector<17x128xf32>
    %convert_element_type3A_5 = arith.truncf %get3A_4 : vector<17x128xf32> to vector<17x128xbf16>
    %dot_general3A = arith.constant dense<0.000000e+00> : vector<6144x128xf32>
    %dot_general3A_6 = tpu.matmul %transpose3A, %convert_element_type3A_5, %dot_general3A {dimension_numbers = #tpu.dot_dimension_numbers<[1], [0], [0], [1], [0, 0, 1, 1], [], []>, transpose_lhs_hint = false} : vector<6144x17xbf16>, vector<17x128xbf16>, vector<6144x128xf32> -> vector<6144x128xf32>
    %broadcast_in_dim3A = arith.constant 1.000000e+00 : bf16
    %broadcast_in_dim3A_7 = vector.broadcast %broadcast_in_dim3A : bf16 to vector<1x6144xbf16>
    %slice3A_8 = vector.extract_strided_slice %get3A_1 {offsets = [0, 0], sizes = [3, 6144], strides = [1, 1]} : vector<20x6144xf32> to vector<3x6144xf32>
    %convert_element_type3A_9 = arith.truncf %slice3A_8 : vector<3x6144xf32> to vector<3x6144xbf16>
    %concatenate3A = tpu.concatenate %broadcast_in_dim3A_7, %convert_element_type3A_9 in 0 : vector<1x6144xbf16>, vector<3x6144xbf16> -> vector<4x6144xbf16>
    %transpose3A_10 = tpu.transpose %concatenate3A, [1, 0] : vector<4x6144xbf16> -> vector<6144x4xbf16>
    %get3A_11 = arith.constant 0 : index
    %get3A_12 = arith.constant 0 : index
    %get3A_13 = vector.load %arg4[%get3A_11, %get3A_12] : memref<4x128xf32, #tpu.memory_space<vmem>>, vector<4x128xf32>
    %convert_element_type3A_14 = arith.truncf %get3A_13 : vector<4x128xf32> to vector<4x128xbf16>
    %dot_general3A_15 = arith.constant dense<0.000000e+00> : vector<6144x128xf32>
    %dot_general3A_16 = tpu.matmul %transpose3A_10, %convert_element_type3A_14, %dot_general3A_15 {dimension_numbers = #tpu.dot_dimension_numbers<[1], [0], [0], [1], [0, 0, 1, 1], [], []>, transpose_lhs_hint = false} : vector<6144x4xbf16>, vector<4x128xbf16>, vector<6144x128xf32> -> vector<6144x128xf32>
    %get3A_17 = arith.constant 0 : index
    %get3A_18 = arith.constant 0 : index
    %get3A_19 = vector.load %arg2[%get3A_17, %get3A_18] : memref<6144x128xf32, #tpu.memory_space<vmem>>, vector<6144x128xf32>
    %mul3A = arith.mulf %dot_general3A_6, %get3A_19 : vector<6144x128xf32>
    %mul3A_20 = arith.mulf %mul3A, %dot_general3A_16 : vector<6144x128xf32>
    %reshape3A = vector.shape_cast %mul3A_20 : vector<6144x128xf32> to vector<128x48x128xf32>
    %reduce_sum3A = arith.constant dense<0.000000e+00> : vector<128x128xf32>
    %reduce_sum3A_21 = vector.multi_reduction <add>, %reshape3A, %reduce_sum3A [1] : vector<128x48x128xf32> to vector<128x128xf32>
    %slice3A_22 = vector.extract_strided_slice %reduce_sum3A_21 {offsets = [0, 0], sizes = [128, 32], strides = [1, 1]} : vector<128x128xf32> to vector<128x32xf32>
    %slice3A_23 = vector.extract_strided_slice %reduce_sum3A_21 {offsets = [0, 32], sizes = [128, 32], strides = [1, 1]} : vector<128x128xf32> to vector<128x32xf32>
    %add3A = arith.addf %slice3A_22, %slice3A_23 : vector<128x32xf32>
    %slice3A_24 = vector.extract_strided_slice %reduce_sum3A_21 {offsets = [0, 64], sizes = [128, 32], strides = [1, 1]} : vector<128x128xf32> to vector<128x32xf32>
    %add3A_25 = arith.addf %add3A, %slice3A_24 : vector<128x32xf32>
    %slice3A_26 = vector.extract_strided_slice %reduce_sum3A_21 {offsets = [0, 96], sizes = [128, 32], strides = [1, 1]} : vector<128x128xf32> to vector<128x32xf32>
    %add3A_27 = arith.addf %add3A_25, %slice3A_26 : vector<128x32xf32>
    %get3A_28 = arith.constant 0 : index
    %get3A_29 = arith.constant 0 : index
    %get3A_30 = vector.load %arg3[%get3A_28, %get3A_29] : memref<128x128xf32, #tpu.memory_space<vmem>>, vector<128x128xf32>
    %slice3A_31 = vector.extract_strided_slice %get3A_30 {offsets = [0, 0], sizes = [128, 32], strides = [1, 1]} : vector<128x128xf32> to vector<128x32xf32>
    %get3A_32 = arith.constant 0 : index
    %get3A_33 = arith.constant 0 : index
    %get3A_34 = vector.load %arg6[%get3A_32, %get3A_33] : memref<32x32xf32, #tpu.memory_space<vmem>>, vector<32x32xf32>
    %dot_general3A_35 = arith.constant dense<0.000000e+00> : vector<128x32xf32>
    %dot_general3A_36 = tpu.matmul %add3A_27, %get3A_34, %dot_general3A_35 {dimension_numbers = #tpu.dot_dimension_numbers<[1], [0], [0], [1], [0, 0, 1, 1], [], []>, transpose_lhs_hint = false} : vector<128x32xf32>, vector<32x32xf32>, vector<128x32xf32> -> vector<128x32xf32>
    %get3A_37 = arith.constant 0 : index
    %get3A_38 = arith.constant 0 : index
    %get3A_39 = vector.load %arg7[%get3A_37, %get3A_38] : memref<32x32xf32, #tpu.memory_space<vmem>>, vector<32x32xf32>
    %dot_general3A_40 = arith.constant dense<0.000000e+00> : vector<128x32xf32>
    %dot_general3A_41 = tpu.matmul %slice3A_31, %get3A_39, %dot_general3A_40 {dimension_numbers = #tpu.dot_dimension_numbers<[1], [0], [0], [1], [0, 0, 1, 1], [], []>, transpose_lhs_hint = false} : vector<128x32xf32>, vector<32x32xf32>, vector<128x32xf32> -> vector<128x32xf32>
    %add3A_42 = arith.addf %dot_general3A_36, %dot_general3A_41 : vector<128x32xf32>
    %get3A_43 = arith.constant 0 : index
    %get3A_44 = arith.constant 0 : index
    %get3A_45 = vector.load %arg8[%get3A_43, %get3A_44] : memref<1x32xf32, #tpu.memory_space<vmem>>, vector<1x32xf32>
    %add3A_46 = vector.broadcast %get3A_45 : vector<1x32xf32> to vector<128x32xf32>
    %add3A_47 = arith.addf %add3A_42, %add3A_46 : vector<128x32xf32>
    %neg3A = arith.constant 0.000000e+00 : f32
    %neg3A_48 = vector.broadcast %neg3A : f32 to vector<128x32xf32>
    %neg3A_49 = arith.subf %neg3A_48, %add3A_47 : vector<128x32xf32>
    %exp3A = math.exp %neg3A_49 : vector<128x32xf32>
    %add3A_50 = arith.constant 1.000000e+00 : f32
    %add3A_51 = vector.broadcast %add3A_50 : f32 to vector<128x32xf32>
    %add3A_52 = arith.addf %add3A_51, %exp3A : vector<128x32xf32>
    %div3A = arith.constant 1.000000e+00 : f32
    %div3A_53 = vector.broadcast %div3A : f32 to vector<128x32xf32>
    %div3A_54 = arith.divf %div3A_53, %add3A_52 : vector<128x32xf32>
    %mul3A_55 = arith.mulf %add3A_47, %div3A_54 : vector<128x32xf32>
    %get3A_56 = arith.constant 0 : index
    %get3A_57 = arith.constant 0 : index
    %get3A_58 = vector.load %arg9[%get3A_56, %get3A_57] : memref<32x8xf32, #tpu.memory_space<vmem>>, vector<32x8xf32>
    %dot_general3A_59 = arith.constant dense<0.000000e+00> : vector<128x8xf32>
    %dot_general3A_60 = tpu.matmul %mul3A_55, %get3A_58, %dot_general3A_59 {dimension_numbers = #tpu.dot_dimension_numbers<[1], [0], [0], [1], [0, 0, 1, 1], [], []>, transpose_lhs_hint = false} : vector<128x32xf32>, vector<32x8xf32>, vector<128x8xf32> -> vector<128x8xf32>
    %swap3A = arith.constant 0 : index
    %swap3A_61 = arith.constant 0 : index
    %swap3A_62 = vector.load %arg10[%swap3A, %swap3A_61] : memref<128x8xf32, #tpu.memory_space<vmem>>, vector<128x8xf32>
    tpu.vector_store %arg10[%swap3A, %swap3A_61], %dot_general3A_60 {strides = array<i32>} : memref<128x8xf32, #tpu.memory_space<vmem>>, vector<128x8xf32>,
    return
  }
  func.func @transform_0(%arg0: i32) -> (i32, i32) {
    %add3A = arith.constant 32 : i32
    %add3A_0 = arith.addi %arg0, %add3A : i32
    %c0_i32 = arith.constant 0 : i32
    %c0_i32_1 = arith.constant 0 : i32
    return %c0_i32, %add3A_0 : i32, i32
  }
  func.func @transform_1(%arg0: i32) -> (i32, i32) {
    %c0_i32 = arith.constant 0 : i32
    %c0_i32_0 = arith.constant 0 : i32
    return %arg0, %c0_i32 : i32, i32
  }
  func.func @transform_2(%arg0: i32) -> (i32, i32) {
    %add3A = arith.constant 32 : i32
    %add3A_0 = arith.addi %arg0, %add3A : i32
    %c0_i32 = arith.constant 0 : i32
    %c0_i32_1 = arith.constant 0 : i32
    return %add3A_0, %c0_i32 : i32, i32
  }
  func.func @transform_3(%arg0: i32) -> (i32, i32) {
    %c0_i32 = arith.constant 0 : i32
    %c0_i32_0 = arith.constant 0 : i32
    %c0_i32_1 = arith.constant 0 : i32
    return %c0_i32, %c0_i32_0 : i32, i32
  }
  func.func @transform_4(%arg0: i32) -> (i32, i32) {
    %c0_i32 = arith.constant 0 : i32
    %c0_i32_0 = arith.constant 0 : i32
    %c0_i32_1 = arith.constant 0 : i32
    return %c0_i32, %c0_i32_0 : i32, i32
  }
  func.func @transform_5(%arg0: i32) -> (i32, i32) {
    %c0_i32 = arith.constant 0 : i32
    %c0_i32_0 = arith.constant 0 : i32
    %c0_i32_1 = arith.constant 0 : i32
    return %c0_i32, %c0_i32_0 : i32, i32
  }
  func.func @transform_6(%arg0: i32) -> (i32, i32) {
    %c0_i32 = arith.constant 0 : i32
    %c0_i32_0 = arith.constant 0 : i32
    %c0_i32_1 = arith.constant 0 : i32
    return %c0_i32, %c0_i32_0 : i32, i32
  }
  func.func @transform_7(%arg0: i32) -> (i32, i32) {
    %c0_i32 = arith.constant 0 : i32
    %c0_i32_0 = arith.constant 0 : i32
    %c0_i32_1 = arith.constant 0 : i32
    return %c0_i32, %c0_i32_0 : i32, i32
  }
  func.func @transform_8(%arg0: i32) -> (i32, i32) {
    %c0_i32 = arith.constant 0 : i32
    %c0_i32_0 = arith.constant 0 : i32
    %c0_i32_1 = arith.constant 0 : i32
    return %c0_i32, %c0_i32_0 : i32, i32
  }
  func.func @transform_9(%arg0: i32) -> (i32, i32) {
    %c0_i32 = arith.constant 0 : i32
    %c0_i32_0 = arith.constant 0 : i32
    return %arg0, %c0_i32 : i32, i32
  }
}

module attributes {stable_mosaic.version = 14 : i64} {
  func.func @_layer1_kernel(%arg0: i32, %arg1: memref<20x6144xf32, #tpu.memory_space<vmem>>, %arg2: memref<6144x128xf32, #tpu.memory_space<vmem>>, %arg3: memref<128x128xf32, #tpu.memory_space<vmem>>, %arg4: memref<4x128xf32, #tpu.memory_space<vmem>>, %arg5: memref<17x128xf32, #tpu.memory_space<vmem>>, %arg6: memref<32x32xf32, #tpu.memory_space<vmem>>, %arg7: memref<32x32xf32, #tpu.memory_space<vmem>>, %arg8: memref<1x32xf32, #tpu.memory_space<vmem>>, %arg9: memref<32x8xf32, #tpu.memory_space<vmem>>, %arg10: memref<128x8xf32, #tpu.memory_space<vmem>>) attributes {dimension_semantics = [#tpu.dimension_semantics<arbitrary>], iteration_bounds = array<i64: 32>, scalar_prefetch = 0 : i64, scratch_operands = 0 : i64, tpu.core_type = #tpu.core_type<tc>, window_params = [{transform_indices = @transform_0, window_bounds = array<i64: 20, 6144>}, {transform_indices = @transform_1, window_bounds = array<i64: 6144, 128>}, {transform_indices = @transform_2, window_bounds = array<i64: 128, 128>}, {pipeline_mode = #tpu.pipeline_mode<synchronous>, transform_indices = @transform_3, window_bounds = array<i64: 4, 128>}, {pipeline_mode = #tpu.pipeline_mode<synchronous>, transform_indices = @transform_4, window_bounds = array<i64: 17, 128>}, {pipeline_mode = #tpu.pipeline_mode<synchronous>, transform_indices = @transform_5, window_bounds = array<i64: 32, 32>}, {pipeline_mode = #tpu.pipeline_mode<synchronous>, transform_indices = @transform_6, window_bounds = array<i64: 32, 32>}, {pipeline_mode = #tpu.pipeline_mode<synchronous>, transform_indices = @transform_7, window_bounds = array<i64: 1, 32>}, {pipeline_mode = #tpu.pipeline_mode<synchronous>, transform_indices = @transform_8, window_bounds = array<i64: 32, 8>}, {transform_indices = @transform_9, window_bounds = array<i64: 128, 8>}]} {
    %get3A = arith.constant 0 : index
    %get3A_0 = arith.constant 0 : index
    %get3A_1 = vector.load %arg1[%get3A, %get3A_0] : memref<20x6144xf32, #tpu.memory_space<vmem>>, vector<20x6144xf32>
    %slice3A = vector.extract_strided_slice %get3A_1 {offsets = [3, 0], sizes = [17, 6144], strides = [1, 1]} : vector<20x6144xf32> to vector<17x6144xf32>
    %convert_element_type3A = arith.truncf %slice3A : vector<17x6144xf32> to vector<17x6144xbf16>
    %transpose3A = tpu.transpose %convert_element_type3A, [1, 0] : vector<17x6144xbf16> -> vector<6144x17xbf16>
    %get3A_2 = arith.constant 0 : index
    %get3A_3 = arith.constant 0 : index
    %get3A_4 = vector.load %arg5[%get3A_2, %get3A_3] : memref<17x128xf32, #tpu.memory_space<vmem>>, vector<17x128xf32>
    %convert_element_type3A_5 = arith.truncf %get3A_4 : vector<17x128xf32> to vector<17x128xbf16>
    %dot_general3A = arith.constant dense<0.000000e+00> : vector<6144x128xf32>
    %dot_general3A_6 = tpu.matmul %transpose3A, %convert_element_type3A_5, %dot_general3A {dimension_numbers = #tpu.dot_dimension_numbers<[1], [0], [0], [1], [0, 0, 1, 1], [], []>, transpose_lhs_hint = false} : vector<6144x17xbf16>, vector<17x128xbf16>, vector<6144x128xf32> -> vector<6144x128xf32>
    %broadcast_in_dim3A = arith.constant 1.000000e+00 : bf16
    %broadcast_in_dim3A_7 = vector.broadcast %broadcast_in_dim3A : bf16 to vector<1x6144xbf16>
    %slice3A_8 = vector.extract_strided_slice %get3A_1 {offsets = [0, 0], sizes = [3, 6144], strides = [1, 1]} : vector<20x6144xf32> to vector<3x6144xf32>
    %convert_element_type3A_9 = arith.truncf %slice3A_8 : vector<3x6144xf32> to vector<3x6144xbf16>
    %concatenate3A = tpu.concatenate %broadcast_in_dim3A_7, %convert_element_type3A_9 in 0 : vector<1x6144xbf16>, vector<3x6144xbf16> -> vector<4x6144xbf16>
    %transpose3A_10 = tpu.transpose %concatenate3A, [1, 0] : vector<4x6144xbf16> -> vector<6144x4xbf16>
    %get3A_11 = arith.constant 0 : index
    %get3A_12 = arith.constant 0 : index
    %get3A_13 = vector.load %arg4[%get3A_11, %get3A_12] : memref<4x128xf32, #tpu.memory_space<vmem>>, vector<4x128xf32>
    %convert_element_type3A_14 = arith.truncf %get3A_13 : vector<4x128xf32> to vector<4x128xbf16>
    %dot_general3A_15 = arith.constant dense<0.000000e+00> : vector<6144x128xf32>
    %dot_general3A_16 = tpu.matmul %transpose3A_10, %convert_element_type3A_14, %dot_general3A_15 {dimension_numbers = #tpu.dot_dimension_numbers<[1], [0], [0], [1], [0, 0, 1, 1], [], []>, transpose_lhs_hint = false} : vector<6144x4xbf16>, vector<4x128xbf16>, vector<6144x128xf32> -> vector<6144x128xf32>
    %get3A_17 = arith.constant 0 : index
    %get3A_18 = arith.constant 0 : index
    %get3A_19 = vector.load %arg2[%get3A_17, %get3A_18] : memref<6144x128xf32, #tpu.memory_space<vmem>>, vector<6144x128xf32>
    %mul3A = arith.mulf %dot_general3A_6, %get3A_19 : vector<6144x128xf32>
    %mul3A_20 = arith.mulf %mul3A, %dot_general3A_16 : vector<6144x128xf32>
    %reshape3A = vector.shape_cast %mul3A_20 : vector<6144x128xf32> to vector<128x48x128xf32>
    %reduce_sum3A = arith.constant dense<0.000000e+00> : vector<128x128xf32>
    %reduce_sum3A_21 = vector.multi_reduction <add>, %reshape3A, %reduce_sum3A [1] : vector<128x48x128xf32> to vector<128x128xf32>
    %slice3A_22 = vector.extract_strided_slice %reduce_sum3A_21 {offsets = [0, 0], sizes = [128, 32], strides = [1, 1]} : vector<128x128xf32> to vector<128x32xf32>
    %slice3A_23 = vector.extract_strided_slice %reduce_sum3A_21 {offsets = [0, 32], sizes = [128, 32], strides = [1, 1]} : vector<128x128xf32> to vector<128x32xf32>
    %add3A = arith.addf %slice3A_22, %slice3A_23 : vector<128x32xf32>
    %slice3A_24 = vector.extract_strided_slice %reduce_sum3A_21 {offsets = [0, 64], sizes = [128, 32], strides = [1, 1]} : vector<128x128xf32> to vector<128x32xf32>
    %add3A_25 = arith.addf %add3A, %slice3A_24 : vector<128x32xf32>
    %slice3A_26 = vector.extract_strided_slice %reduce_sum3A_21 {offsets = [0, 96], sizes = [128, 32], strides = [1, 1]} : vector<128x128xf32> to vector<128x32xf32>
    %add3A_27 = arith.addf %add3A_25, %slice3A_26 : vector<128x32xf32>
    %get3A_28 = arith.constant 0 : index
    %get3A_29 = arith.constant 0 : index
    %get3A_30 = vector.load %arg3[%get3A_28, %get3A_29] : memref<128x128xf32, #tpu.memory_space<vmem>>, vector<128x128xf32>
    %slice3A_31 = vector.extract_strided_slice %get3A_30 {offsets = [0, 0], sizes = [128, 32], strides = [1, 1]} : vector<128x128xf32> to vector<128x32xf32>
    %get3A_32 = arith.constant 0 : index
    %get3A_33 = arith.constant 0 : index
    %get3A_34 = vector.load %arg6[%get3A_32, %get3A_33] : memref<32x32xf32, #tpu.memory_space<vmem>>, vector<32x32xf32>
    %dot_general3A_35 = arith.constant dense<0.000000e+00> : vector<128x32xf32>
    %dot_general3A_36 = tpu.matmul %add3A_27, %get3A_34, %dot_general3A_35 {dimension_numbers = #tpu.dot_dimension_numbers<[1], [0], [0], [1], [0, 0, 1, 1], [], []>, transpose_lhs_hint = false} : vector<128x32xf32>, vector<32x32xf32>, vector<128x32xf32> -> vector<128x32xf32>
    %get3A_37 = arith.constant 0 : index
    %get3A_38 = arith.constant 0 : index
    %get3A_39 = vector.load %arg7[%get3A_37, %get3A_38] : memref<32x32xf32, #tpu.memory_space<vmem>>, vector<32x32xf32>
    %dot_general3A_40 = arith.constant dense<0.000000e+00> : vector<128x32xf32>
    %dot_general3A_41 = tpu.matmul %slice3A_31, %get3A_39, %dot_general3A_40 {dimension_numbers = #tpu.dot_dimension_numbers<[1], [0], [0], [1], [0, 0, 1, 1], [], []>, transpose_lhs_hint = false} : vector<128x32xf32>, vector<32x32xf32>, vector<128x32xf32> -> vector<128x32xf32>
    %add3A_42 = arith.addf %dot_general3A_36, %dot_general3A_41 : vector<128x32xf32>
    %get3A_43 = arith.constant 0 : index
    %get3A_44 = arith.constant 0 : index
    %get3A_45 = vector.load %arg8[%get3A_43, %get3A_44] : memref<1x32xf32, #tpu.memory_space<vmem>>, vector<1x32xf32>
    %add3A_46 = vector.broadcast %get3A_45 : vector<1x32xf32> to vector<128x32xf32>
    %add3A_47 = arith.addf %add3A_42, %add3A_46 : vector<128x32xf32>
    %neg3A = arith.constant 0.000000e+00 : f32
    %neg3A_48 = vector.broadcast %neg3A : f32 to vector<128x32xf32>
    %neg3A_49 = arith.subf %neg3A_48, %add3A_47 : vector<128x32xf32>
    %exp3A = math.exp %neg3A_49 : vector<128x32xf32>
    %add3A_50 = arith.constant 1.000000e+00 : f32
    %add3A_51 = vector.broadcast %add3A_50 : f32 to vector<128x32xf32>
    %add3A_52 = arith.addf %add3A_51, %exp3A : vector<128x32xf32>
    %div3A = arith.constant 1.000000e+00 : f32
    %div3A_53 = vector.broadcast %div3A : f32 to vector<128x32xf32>
    %div3A_54 = arith.divf %div3A_53, %add3A_52 : vector<128x32xf32>
    %mul3A_55 = arith.mulf %add3A_47, %div3A_54 : vector<128x32xf32>
    %get3A_56 = arith.constant 0 : index
    %get3A_57 = arith.constant 0 : index
    %get3A_58 = vector.load %arg9[%get3A_56, %get3A_57] : memref<32x8xf32, #tpu.memory_space<vmem>>, vector<32x8xf32>
    %dot_general3A_59 = arith.constant dense<0.000000e+00> : vector<128x8xf32>
    %dot_general3A_60 = tpu.matmul %mul3A_55, %get3A_58, %dot_general3A_59 {dimension_numbers = #tpu.dot_dimension_numbers<[1], [0], [0], [1], [0, 0, 1, 1], [], []>, transpose_lhs_hint = false} : vector<128x32xf32>, vector<32x8xf32>, vector<128x8xf32> -> vector<128x8xf32>
    %swap3A = arith.constant 0 : index
    %swap3A_61 = arith.constant 0 : index
    %swap3A_62 = vector.load %arg10[%swap3A, %swap3A_61] : memref<128x8xf32, #tpu.memory_space<vmem>>, vector<128x8xf32>
    tpu.vector_store %arg10[%swap3A, %swap3A_61], %dot_general3A_60 {strides = array<i32>} : memref<128x8xf32, #tpu.memory_space<vmem>>, vector<128x8xf32>,
    return
  }
  func.func @transform_0(%arg0: i32) -> (i32, i32) {
    %add3A = arith.constant 0 : i32
    %add3A_0 = arith.addi %arg0, %add3A : i32
    %c0_i32 = arith.constant 0 : i32
    %c0_i32_1 = arith.constant 0 : i32
    return %c0_i32, %add3A_0 : i32, i32
  }
  func.func @transform_1(%arg0: i32) -> (i32, i32) {
    %c0_i32 = arith.constant 0 : i32
    %c0_i32_0 = arith.constant 0 : i32
    return %arg0, %c0_i32 : i32, i32
  }
  func.func @transform_2(%arg0: i32) -> (i32, i32) {
    %add3A = arith.constant 0 : i32
    %add3A_0 = arith.addi %arg0, %add3A : i32
    %c0_i32 = arith.constant 0 : i32
    %c0_i32_1 = arith.constant 0 : i32
    return %add3A_0, %c0_i32 : i32, i32
  }
  func.func @transform_3(%arg0: i32) -> (i32, i32) {
    %c0_i32 = arith.constant 0 : i32
    %c0_i32_0 = arith.constant 0 : i32
    %c0_i32_1 = arith.constant 0 : i32
    return %c0_i32, %c0_i32_0 : i32, i32
  }
  func.func @transform_4(%arg0: i32) -> (i32, i32) {
    %c0_i32 = arith.constant 0 : i32
    %c0_i32_0 = arith.constant 0 : i32
    %c0_i32_1 = arith.constant 0 : i32
    return %c0_i32, %c0_i32_0 : i32, i32
  }
  func.func @transform_5(%arg0: i32) -> (i32, i32) {
    %c0_i32 = arith.constant 0 : i32
    %c0_i32_0 = arith.constant 0 : i32
    %c0_i32_1 = arith.constant 0 : i32
    return %c0_i32, %c0_i32_0 : i32, i32
  }
  func.func @transform_6(%arg0: i32) -> (i32, i32) {
    %c0_i32 = arith.constant 0 : i32
    %c0_i32_0 = arith.constant 0 : i32
    %c0_i32_1 = arith.constant 0 : i32
    return %c0_i32, %c0_i32_0 : i32, i32
  }
  func.func @transform_7(%arg0: i32) -> (i32, i32) {
    %c0_i32 = arith.constant 0 : i32
    %c0_i32_0 = arith.constant 0 : i32
    %c0_i32_1 = arith.constant 0 : i32
    return %c0_i32, %c0_i32_0 : i32, i32
  }
  func.func @transform_8(%arg0: i32) -> (i32, i32) {
    %c0_i32 = arith.constant 0 : i32
    %c0_i32_0 = arith.constant 0 : i32
    %c0_i32_1 = arith.constant 0 : i32
    return %c0_i32, %c0_i32_0 : i32, i32
  }
  func.func @transform_9(%arg0: i32) -> (i32, i32) {
    %c0_i32 = arith.constant 0 : i32
    %c0_i32_0 = arith.constant 0 : i32
    return %arg0, %c0_i32 : i32, i32
  }
}

</mosaic_0001>

<sc_bundles>
// kernel: kernel.12.cloned.1.call-start
scs
__scs_entry_jumppad:
0x0: {  	(pc) =	sbr.rel $0x88, $3  }
0x1: {  	(tag) =	ssettag $0x0;
	lr =	simm.s32 $0x1  }
0x2: {  	[smem:$0x3F92] =	sst lr;
	_ =	strace $0xD0000000  }
0x3: {  	_ = 	snop  }
0x4: {  	_ = 	snop  }
0x5: {  	_ = 	snop  }
0x6: {  	_ = 	snop  }
0x7: {  	_ = 	snop  }
__scs_overlays_trampoline_lowered:
0x8: {  	[smem:$0x3FA1] =	sst s0  }
0x9: {  	[smem:$0x3FA2] =	sst s1  }
0xa: {  	[smem:$0x3FA3] =	sst s2  }
0xb: {  	[smem:$0x3FA4] =	sst s3  }
0xc: {  	[smem:$0x3FA5] =	sst s4  }
0xd: {  	[smem:$0x3FA6] =	sst s5  }
0xe: {  	[smem:$0x3FA7] =	sst s6  }
0xf: {  	[smem:$0x3FA8] =	sst s7  }
0x10: {  	[smem:$0x3FA9] =	sst s8  }
0x11: {  	[smem:$0x3FAA] =	sst s9;
	s0 =	simm.s32 @!p0 $0x0  }
0x12: {  	s1 =	sld [smem:$0x3F90];
	s0 =	simm.s32 @p0 $0x1  }
0x13: {  	[smem:$0x3FAB] =	sst s0;
	s0 =	simm.s32 @!p1 $0x0  }
0x14: {  	s2 =	sld [smem:$0x3F8F];
	s0 =	simm.s32 @p1 $0x1  }
0x15: {  	[smem:$0x3FAC] =	sst s0;
	s0 =	simm.s32 @!p2 $0x0  }
0x16: {  	s3 =	sld [smem:$0x3FDB];
	s0 =	simm.s32 @p2 $0x1  }
0x17: {  	s4 =	simm.s32 $0x1BF5;
	[smem:$0x3FAE] =	sst s0  }
0x18: {  	s0 =	sld [smem:$0x3F91];
	_ =	swait.ge [sflag:s4], $0x0  }
0x19: {  	s7 =	sld [smem:$0x3F92]  }
0x1a: {  	s8 =	sadd.s32 $0xFFFFE003, lr  }
0x1b: {  	s9 =	sadd.s32 $0xFFFFFEF7, lr;
	s5 =	simm.s32 $0xFFFFFFFF;
	p2 =	slt.u32 s8, $0xFFFFF086  }
0x1c: {  	p1 =	slt.u32 s9, $0xF7A;
	s5 =	simm.s32 @!p2 $0x0  }
0x1d: {  	s5 =	simm.s32 @p1 $0x1;
	p0 =	seq.s32 s7, s2  }
0x1e: {  	s7 =	smul.u32 @!p0 $0xF7A, s2;
	p2 =	seq.s32 @!p0 s5, $0x0  }
0x1f: {  	s9 =	smul.u32 $0xF7A, s1;
	s8 =	simm.s32 @!p0 $0x1BF5;
	p2 =	por !p2, p0  }
0x20: {  	[sflag:s8] =	ssyncset.s32 @!p0 $0xFFFFF086;
	s6 =	sadd.s32 @!p0 s3, s7;
	s7 =	simm.s32 @!p0 $0x108  }
0x21: {  	s3 =	sadd.s32 s3, s9;
	s6 =	sadd.s32 @!p0 $0x88, s6;
	s7 =	simm.s32 @p2 $0x1082  }
0x22: {  	[simem:s7], [sflag:s8] =	dma.local @!p0 [hbm:s6], $0xF7A  }
0x23: {  	s9 =	sor.u32 $0xD0000000, s2;
	s6 =	simm.s32 $0x108;
	_ =	swait.ge @!p0 [sflag:s8], $0x0  }
0x24: {  	s3 =	sadd.s32 $0x88, s3;
	s6 =	simm.s32 @!p1 $0x1082;
	[sflag:s4] =	ssyncset.s32 $0xFFFFF086  }
0x25: {  	[simem:s6], [sflag:s4] =	dma.local [hbm:s3], $0xF7A  }
0x26: {  	[smem:$0x3F92] =	sst s1;
	(tag) =	ssettag s2;
	_ =	strace s9  }
0x27: {  	s1 =	sld [smem:$0x3FA2]  }
0x28: {  	s2 =	sld [smem:$0x3FA3]  }
0x29: {  	s4 =	sld [smem:$0x3FA5]  }
0x2a: {  	p0 =	seq.s32 s5, $0x0;
	s5 =	sld [smem:$0x3FA6]  }
0x2b: {  	s6 =	sld [smem:$0x3FA7]  }
0x2c: {  	s7 =	sld [smem:$0x3FA8]  }
0x2d: {  	s3 =	simm.s32 $0x108;
	s8 =	sld [smem:$0x3FA9]  }
0x2e: {  	s3 =	simm.s32 @!p0 $0x1082;
	s9 =	sld [smem:$0x3FAA]  }
0x2f: {  	lr =	sadd.s32 s0, s3;
	s0 =	sld [smem:$0x3FA1]  }
0x30: {  	s3 =	sld [smem:$0x3FA4]  }
0x31: {  	[smem:$0x3FAD] =	sst s10  }
0x32: {  	s10 =	sld [smem:$0x3FAB];
	_ =	sdelay $0x3  }
0x33: {  	p0 =	seq.s32 s10, $0x1;
	s10 =	sld [smem:$0x3FAD];
	_ =	sdelay $0x3  }
0x34: {  	[smem:$0x3FAD] =	sst s10  }
0x35: {  	s10 =	sld [smem:$0x3FAC];
	_ =	sdelay $0x3  }
0x36: {  	p1 =	seq.s32 s10, $0x1;
	s10 =	sld [smem:$0x3FAD];
	_ =	sdelay $0x3  }
0x37: {  	[smem:$0x3FAD] =	sst s10  }
0x38: {  	s10 =	sld [smem:$0x3FAE]  }
0x39: {  	_ = 	snop;
	(pc) =	sbr.ind lr, $3  }
0x3a: {  	_ = 	snop  }
0x3b: {  	_ = 	snop  }
0x3c: {  	p2 =	seq.s32 s10, $0x1;
	s10 =	sld [smem:$0x3FAD]  }
0x3d: {  	_ =	shalt  }
0x3e: {  	_ =	shalt  }
0x3f: {  	_ =	shalt  }
0x40: {  	_ =	shalt  }
0x41: {  	_ =	shalt  }
0x42: {  	_ =	shalt  }
0x43: {  	_ =	shalt  }
0x44: {  	_ =	shalt  }
0x45: {  	_ =	shalt  }
0x46: {  	_ =	shalt  }
0x47: {  	_ =	shalt  }
0x48: {  	_ =	shalt  }
0x49: {  	_ =	shalt  }
0x4a: {  	_ =	shalt  }
0x4b: {  	_ =	shalt  }
0x4c: {  	_ =	shalt  }
0x4d: {  	_ =	shalt  }
0x4e: {  	_ =	shalt  }
0x4f: {  	_ =	shalt  }
0x50: {  	_ =	shalt  }
0x51: {  	_ =	shalt  }
0x52: {  	_ =	shalt  }
0x53: {  	_ =	shalt  }
0x54: {  	_ =	shalt  }
0x55: {  	_ =	shalt  }
0x56: {  	_ =	shalt  }
0x57: {  	_ =	shalt  }
0x58: {  	_ =	shalt  }
0x59: {  	_ =	shalt  }
0x5a: {  	_ =	shalt  }
0x5b: {  	_ =	shalt  }
0x5c: {  	_ =	shalt  }
0x5d: {  	_ =	shalt  }
0x5e: {  	_ =	shalt  }
0x5f: {  	_ =	shalt  }
0x60: {  	_ =	shalt  }
0x61: {  	_ =	shalt  }
0x62: {  	_ =	shalt  }
0x63: {  	_ =	shalt  }
0x64: {  	_ =	shalt  }
0x65: {  	_ =	shalt  }
0x66: {  	_ =	shalt  }
0x67: {  	_ =	shalt  }
0x68: {  	_ =	shalt  }
0x69: {  	_ =	shalt  }
0x6a: {  	_ =	shalt  }
0x6b: {  	_ =	shalt  }
0x6c: {  	_ =	shalt  }
0x6d: {  	_ =	shalt  }
0x6e: {  	_ =	shalt  }
0x6f: {  	_ =	shalt  }
0x70: {  	_ =	shalt  }
0x71: {  	_ =	shalt  }
0x72: {  	_ =	shalt  }
0x73: {  	_ =	shalt  }
0x74: {  	_ =	shalt  }
0x75: {  	_ =	shalt  }
0x76: {  	_ =	shalt  }
0x77: {  	_ =	shalt  }
0x78: {  	_ =	shalt  }
0x79: {  	_ =	shalt  }
0x7a: {  	_ =	shalt  }
0x7b: {  	_ =	shalt  }
0x7c: {  	_ =	shalt  }
0x7d: {  	_ =	shalt  }
0x7e: {  	_ =	shalt  }
0x7f: {  	_ =	shalt  }
0x80: {  	_ =	shalt  }
0x81: {  	_ =	shalt  }
0x82: {  	_ =	shalt  }
0x83: {  	_ =	shalt  }
0x84: {  	_ =	shalt  }
0x85: {  	_ =	shalt  }
0x86: {  	_ =	shalt  }
0x87: {  	_ =	shalt  }
.Lfunc_end0:
.L_simem_size_0:
called_computation.1_lowered:
.L_overlay_start_0:
0x88: {  	s2 =	sld [smem:$0x3FD9]  }
0x89: {  	s3 =	sld [smem:$0x3FFE];
	_ =	sdelay $0x1  }
0x8a: {  	s1 =	srdreg.scid  }
0x8b: {  	s0 =	sand.u32 $0x1, s1  }
0x8c: {  	s17 =	sshll.u32 s0, $0xA;
	s2 =	sadd.s32 s3, s2  }
0x8d: {  	s2 =	sadd.s32 s2, s17  }
0x8e: {  	[smem:$0x3FB9] =	sst s2  }
0x8f: {  	_ = 	snop  }
0x90: {  	(tm) =	ssettm $0x1  }
0x91: {  	s18 =	sld [smem:$0x3FFB];
	_ =	sdelay $0x3  }
0x92: {  	_ =	strace s18  }
0x93: {  	s2 =	sld [smem:$0x3FFC];
	_ =	sdelay $0x3  }
0x94: {  	_ =	strace s2  }
0x95: {  	s2 =	sld [smem:$0x3FFD];
	_ =	sdelay $0x3  }
0x96: {  	_ =	strace s2  }
0x97: {  	_ =	strace $0x8FFFFFFF  }
0x98: {  	s19 =	sld [smem:$0x3FDB];
	_ =	sdelay $0x1  }
0x99: {  	s20 =	simm.s32 $_scs_section_size  }
0x9a: {  	s4 =	simm.s32 $_size__tile_overlayer_lowered;
	s5 =	simm.s32 $_tile_overlayer_lowered  }
0x9b: {  	s6 =	simm.s32 $0x1BFF;
	s21 =	sshll.u32 s5, $0x1;
	s3 =	sadd.s32 s20, s19  }
0x9c: {  	s22 =	simm.s32 $0x0;
	s4 =	sshll.u32 s4, $0x1;
	s5 =	sadd.s32 s21, s3  }
0x9d: {  	[timem:s22], [sflag:s6] =	dma.local [hbm:s5], s4  }
0x9e: {  	_ =	swait.ge [sflag:s6], s4  }
0x9f: {  	s4 =	ssub.s32 $0x0, s4;
	[sflag:s6] =	ssyncset.done $0x0  }
0xa0: {  	[sflag:s6] =	ssyncadd.s32 s4;
	_ =	sdelay $0x1  }
0xa1: {  	s23 =	simm.s32 $0x1B8B  }
0xa2: {  	_ =	swait.ge [sflag:s23], $0x1  }
0xa3: {  	[sflag:s23] =	ssyncset.done $0x0  }
0xa4: {  	[sflag:s23] =	ssyncadd.s32 $0xFFFFFFFF  }
0xa5: {  	s4 =	sld [smem:$0x0]  }
0xa6: {  	s5 =	sand.u32 $0xFFFFFFFE, s1  }
0xa7: {  	p0 =	sne.s32 s1, s5  }
0xa8: {  	s5 =	sshll.u32 @p0 s5, $0xE  }
0xa9: {  	s5 =	sadd.s32 @p0 $0x11B8D, s5;
	s6 =	sshll.u32 @p0 s4, $0x11  }
0xaa: {  	s5 =	sor.u32 @p0 s6, s5  }
0xab: {  	[sflag:s5] =	ssyncadd.remote.s32 @p0 $0x1;
	_ =	sdelay $0x1  }
0xac: {  	s5 =	simm.s32 @p0 $0x1B8D  }
0xad: {  	_ =	swait.eq @p0 [sflag:s5], $0x1  }
0xae: {  	[sflag:s5] =	ssyncadd.s32 @p0 $0xFFFFFFFF  }
0xaf: {  	s6 =	sshll.u32 @!p0 s1, $0xE  }
0xb0: {  	s6 =	sor.u32 @!p0 $0x4000, s6;
	s5 =	simm.s32 @!p0 $0x1B8D  }
0xb1: {  	s4 =	sshll.u32 @!p0 s4, $0x11;
	s6 =	sadd.s32 @!p0 $0x11B8D, s6;
	_ =	swait.eq @!p0 [sflag:s5], $0x1  }
0xb2: {  	s4 =	sor.u32 @!p0 s4, s6;
	[sflag:s5] =	ssyncadd.s32 @!p0 $0xFFFFFFFF  }
0xb3: {  	s25 =	simm.s32 $0x1B8E;
	s24 =	sld [smem:$0x3FFE];
	[sflag:s4] =	ssyncadd.remote.s32 @!p0 $0x1  }
0xb4: {  	s26 =	simm.s32 $execute0_lowered;
	[smem:$0x3FD2] =	sst s25  }
0xb5: {  	s5 =	sshll.u32 s26, $0x1;
	_ =	strace $0x8000004C;
	[dreg:$0x1] =	wrdreg $0xFFFFFFFF  }
0xb6: {  	s28 =	simm.s32 $_size_execute0_lowered;
	s3 =	sadd.s32 s3, s5;
	[dreg:$0x0] =	wrdreg $0x0  }
0xb7: {  	s5 =	sshll.u32 s28, $0x1;
	[dreg:$0x2] =	wrdreg s3  }
0xb8: {  	[dreg:$0x3] =	wrdreg s5  }
0xb9: {  	[dreg:$0x4] =	wrdreg $0xC0  }
0xba: {  	_ =	task [dreg:s22], $0x5FFFF  }
0xbb: {  	[dreg:$0x1] =	wrdreg $0xFFFFFFFF  }
0xbc: {  	[dreg:$0x0] =	wrdreg $0x60  }
0xbd: {  	[dreg:$0x2] =	wrdreg s24  }
0xbe: {  	[dreg:$0x3] =	wrdreg $0x9  }
0xbf: {  	_ =	task.clear_ibuf [dreg:s22], $0x4FFFF;
	_ =	strace $0x9000004C  }
0xc0: {  	s29 =	simm.s32 $0x9;
	_ =	strace $0x8000004E  }
0xc1: {  	_ =	swait.ge [sflag:s29], $0x1  }
0xc2: {  	[sflag:s29] =	ssyncadd.s32 $0xFFFFFFFF  }
0xc3: {  	_ =	strace $0x9000004E  }
0xc4: {  	_ =	sfence  }
0xc5: {  	s30 =	sld [smem:$0x0];
	_ =	sdelay $0x2  }
0xc6: {  	s31 =	sshll.u32 s1, $0xD;
	s1 =	sshrl.u32 s1, $0x2  }
0xc7: {  	s4 =	sand.u32 $0x4000, s31;
	s1 =	sadd.s32 s1, s30  }
0xc8: {  	s0 =	sor.u32 s4, s0;
	s1 =	sshll.u32 s1, $0x11  }
0xc9: {  	s0 =	sor.u32 s1, s0  }
0xca: {  	s0 =	sadd.s32 $0x8F2B, s0  }
0xcb: {  	[sflag:s0] =	ssyncadd.remote.s32 $0x1  }
0xcc: {  	_ =	sfence.sel $0xFFFF  }
0xcd: {  	[dreg:$0x0] =	wrdreg $0xFFFFFFFF;
	(pc) =	sbr.abs _section_cstart, $3  }
0xce: {  	[dreg:$0x1] =	wrdreg $0xFFFFFFFF  }
0xcf: {  	_ =	task.clear_ibuf [dreg:s22], $0x2FFFF;
	_ =	strace $0x9FFFFFFF  }
0xd0: {  	(tm) =	ssettm $0x7FFFFFFF  }
0xd1: {  	_ =	shalt  }
tec
execute0_lowered:
.L_overlay_start_1:
0x0: {  	(tag) =	ssettag $0x1  }
0x1: {  	s4 =	rddreg [dreg:$0x0]  }
0x2: {  	s0 =	rddreg [dreg:$0x1]  }
0x3: {  	s3 =	srdreg.scid;
	s1 =	stileid.u32;
	s2 =	simm.s32 $0x0  }
0x4: {  	s11 =	simm.s32 $0x0;
	s5 =	sand.u32 $0x1, s3;
	s28 =	sshll.u32 s1, $0x1  }
0x5: {  	[smem:$0x7FF] =	sst s2;
	s7 =	smul.u32 $0x30000, s1;
	s3 =	sor.u32 s5, s28  }
0x6: {  	_ =	strace $0x8000004D;
	s8 =	ssub.s32 $0x2, s5;
	s10 =	smul.u32 $0x18000, s5  }
0x7: {  	s6 =	smul.u32 $0x1800, s3;
	s3 =	sadd.s32 $0x11A00, s4;
	s9 =	sshrl.u32 s8, $0x1  }
0x8: {  	s30 =	sadd.s32 s7, s4;
	s7 =	simm.s32 $0x2;
	s31 =	ssub.s32 s8, s9  }
0x9: {  	s8 =	simm.s32 $0x80;
	s9 =	simm.s32 $0x1800;
	s6 =	sshrl.u32 s6, $0x3  }
0xa: {  	s5 =	smax.u32 s31, $0x1;
	s29 =	sadd.s32 s6, s4;
	s6 =	sadd.s32 s10, s30  }
0xb: {  	s10 =	simm.s32 $0x1;
	s4 =	sadd.s32 $0x4A00, s29;
	s6 =	sadd.s32 $0x354200, s6  }
.LBB2_1:
0xc: {  	[tilespmem:s2], [sflag:$0x2] =	stream.linear.gather [hbm4b:s4+s2], $0x1800, $0x38;
	[tilespmem:$0x5800] =	vst v63  }
0xd: {  	_ =	swait.ge [sflag:s7], $0x1800  }
0xe: {  	[sflag:s7] =	ssyncset.done $0x0  }
0xf: {  	s12 =	simm.s32 $0x0;
	[sflag:s7] =	ssyncadd.s32 $0xFFFFE800  }
0x10: {  	[tilespmem:s9], [sflag:$0x1] =	stream.indirect.gather [hbm4b:s3+s8], $0x80, s12, s8, $0xb8;
	[tilespmem:$0x5800] =	vst v63  }
0x11: {  	_ =	swait.ge [sflag:s10], $0x4000  }
0x12: {  	[sflag:s10] =	ssyncset.done $0x0  }
0x13: {  	[sflag:s10] =	ssyncadd.s32 $0xFFFFC000  }
0x14: {  	[hbm4b:s6+s2] =	stream.linear.scatter [tilespmem:s9], [sflag:$0x2], $0x4000, $0x38;
	[tilespmem:$0x5800] =	vst v63  }
0x15: {  	s13 =	simm.s32 $0x200;
	_ =	swait.ge [sflag:s7], $0x4000  }
0x16: {  	s14 =	simm.s32 $0x400;
	s12 =	sadd.s32 $0x800, s6;
	[sflag:s7] =	ssyncset.done $0x0  }
.LBB2_2:
0x17: {  	s15 =	sshra.s32 s13, $0x2  }
0x18: {  	[sflag:s7] =	ssyncadd.s32 $0xFFFFC000;
	s13 =	smov.u32 s14;
	s16 =	sadd.s32 $0x200, s14  }
0x19: {  	[tilespmem:s9], [sflag:$0x1] =	stream.indirect.gather [hbm4b:s3+s8], $0x80, s15, s8, $0xb8;
	[tilespmem:$0x5800] =	vst v63  }
0x1a: {  	p0 =	sne.s32 s14, $0x5E00;
	_ =	swait.ge [sflag:s10], $0x4000  }
.Ltmp0:
0x1b: {  	[sflag:s10] =	ssyncset.done $0x0;
	(pc) =	sbr.rel @p0 .LBB2_2-.Ltmp0, $4  }
0x1c: {  	[sflag:s10] =	ssyncadd.s32 $0xFFFFC000  }
0x1d: {  	[hbm4b:s12+s2] =	stream.linear.scatter [tilespmem:s9], [sflag:$0x2], $0x4000, $0x38;
	[tilespmem:$0x5800] =	vst v63  }
0x1e: {  	_ =	swait.ge [sflag:s7], $0x4000  }
0x1f: {  	s14 =	smov.u32 s16;
	s12 =	sadd.s32 $0x800, s12;
	[sflag:s7] =	ssyncset.done $0x0  }
0x20: {  	s13 =	sshra.s32 s13, $0x2;
	[sflag:s7] =	ssyncadd.s32 $0xFFFFC000  }
0x21: {  	[tilespmem:s9], [sflag:$0x1] =	stream.indirect.gather [hbm4b:s3+s8], $0x80, s13, s8, $0xb8;
	[tilespmem:$0x5800] =	vst v63  }
0x22: {  	s11 =	sadd.s32 $0x1, s11;
	_ =	swait.ge [sflag:s10], $0x4000  }
0x23: {  	p0 =	sne.s32 s11, s5;
	[sflag:s10] =	ssyncset.done $0x0  }
.Ltmp1:
0x24: {  	[sflag:s10] =	ssyncadd.s32 $0xFFFFC000;
	(pc) =	sbr.rel @p0 .LBB2_1-.Ltmp1, $4  }
0x25: {  	[hbm4b:s12+s2] =	stream.linear.scatter [tilespmem:s9], [sflag:$0x2], $0x4000, $0x38;
	[tilespmem:$0x5800] =	vst v63  }
0x26: {  	_ =	swait.ge [sflag:s7], $0x4000  }
0x27: {  	[sflag:s7] =	ssyncset.done $0x0  }
0x28: {  	[sflag:s7] =	ssyncadd.s32 $0xFFFFC000  }
0x29: {  	_ =	sfence.sel $0x180000  }
0x2a: {  	[bflag:$0x0] =	sbarrier.arrive $0xFFFF  }
0x2b: {  	p0 =	sne.s32 s1, $0x0;
	_ =	strace $0x9000004D  }
0x2c: {  	s0 =	sadd.s32 @!p0 $0x100000, s0;
	[bflag:$0x2] =	sbarrier.arrive $0xFFFF  }
0x2d: {  	[sflag:s0] =	ssyncadd.tile.s32 @!p0 $0x1;
	_ =	shalt  }
.Lfunc_end2:
_tile_overlayer_lowered:
.L_overlay_start_2:
0x2e: {  	(tag) =	ssettag $0x2  }
0x2f: {  	s0 =	rddreg [dreg:$0x0];
	s2 =	stileid.u32  }
0x30: {  	s1 =	rddreg [dreg:$0x1];
	p0 =	sne.s32 s2, $0x0  }
0x31: {  	s3 =	rddreg [dreg:$0x2];
	[bflag:$0x3] =	sbarrier.arrive $0xFFFF;
	s2 =	simm.s32 @!p0 $0x1C02  }
0x32: {  	[timem:s3], [sflag:s2] =	dma.local @!p0 [hbm:s0], s1  }
0x33: {  	s0 =	simm.s32 @!p0 $0x2  }
0x34: {  	_ =	swait.ge @!p0 [sflag:s0], s1  }
0x35: {  	s1 =	ssub.s32 @!p0 $0x0, s1;
	[sflag:s0] =	ssyncset.done @!p0 $0x0  }
0x36: {  	[sflag:s0] =	ssyncadd.s32 @!p0 s1  }
0x37: {  	[bflag:$0x3] =	sbarrier.arrive $0xFFFF  }
0x38: {  	_ =	shalt  }

// kernel: kernel.15.cloned.1.call-start
scs
__scs_entry_jumppad:
0x0: {  	(pc) =	sbr.rel $0x88, $3  }
0x1: {  	(tag) =	ssettag $0x0;
	lr =	simm.s32 $0x1  }
0x2: {  	[smem:$0x3F92] =	sst lr;
	_ =	strace $0xD0000000  }
0x3: {  	_ = 	snop  }
0x4: {  	_ = 	snop  }
0x5: {  	_ = 	snop  }
0x6: {  	_ = 	snop  }
0x7: {  	_ = 	snop  }
__scs_overlays_trampoline_lowered:
0x8: {  	[smem:$0x3FA1] =	sst s0  }
0x9: {  	[smem:$0x3FA2] =	sst s1  }
0xa: {  	[smem:$0x3FA3] =	sst s2  }
0xb: {  	[smem:$0x3FA4] =	sst s3  }
0xc: {  	[smem:$0x3FA5] =	sst s4  }
0xd: {  	[smem:$0x3FA6] =	sst s5  }
0xe: {  	[smem:$0x3FA7] =	sst s6  }
0xf: {  	[smem:$0x3FA8] =	sst s7  }
0x10: {  	[smem:$0x3FA9] =	sst s8  }
0x11: {  	[smem:$0x3FAA] =	sst s9;
	s0 =	simm.s32 @!p0 $0x0  }
0x12: {  	s1 =	sld [smem:$0x3F90];
	s0 =	simm.s32 @p0 $0x1  }
0x13: {  	[smem:$0x3FAB] =	sst s0;
	s0 =	simm.s32 @!p1 $0x0  }
0x14: {  	s2 =	sld [smem:$0x3F8F];
	s0 =	simm.s32 @p1 $0x1  }
0x15: {  	[smem:$0x3FAC] =	sst s0;
	s0 =	simm.s32 @!p2 $0x0  }
0x16: {  	s3 =	sld [smem:$0x3FDB];
	s0 =	simm.s32 @p2 $0x1  }
0x17: {  	s4 =	simm.s32 $0x1BF5;
	[smem:$0x3FAE] =	sst s0  }
0x18: {  	s0 =	sld [smem:$0x3F91];
	_ =	swait.ge [sflag:s4], $0x0  }
0x19: {  	s7 =	sld [smem:$0x3F92]  }
0x1a: {  	s8 =	sadd.s32 $0xFFFFE003, lr  }
0x1b: {  	s9 =	sadd.s32 $0xFFFFFEF7, lr;
	s5 =	simm.s32 $0xFFFFFFFF;
	p2 =	slt.u32 s8, $0xFFFFF086  }
0x1c: {  	p1 =	slt.u32 s9, $0xF7A;
	s5 =	simm.s32 @!p2 $0x0  }
0x1d: {  	s5 =	simm.s32 @p1 $0x1;
	p0 =	seq.s32 s7, s2  }
0x1e: {  	s7 =	smul.u32 @!p0 $0xF7A, s2;
	p2 =	seq.s32 @!p0 s5, $0x0  }
0x1f: {  	s9 =	smul.u32 $0xF7A, s1;
	s8 =	simm.s32 @!p0 $0x1BF5;
	p2 =	por !p2, p0  }
0x20: {  	[sflag:s8] =	ssyncset.s32 @!p0 $0xFFFFF086;
	s6 =	sadd.s32 @!p0 s3, s7;
	s7 =	simm.s32 @!p0 $0x108  }
0x21: {  	s3 =	sadd.s32 s3, s9;
	s6 =	sadd.s32 @!p0 $0x88, s6;
	s7 =	simm.s32 @p2 $0x1082  }
0x22: {  	[simem:s7], [sflag:s8] =	dma.local @!p0 [hbm:s6], $0xF7A  }
0x23: {  	s9 =	sor.u32 $0xD0000000, s2;
	s6 =	simm.s32 $0x108;
	_ =	swait.ge @!p0 [sflag:s8], $0x0  }
0x24: {  	s3 =	sadd.s32 $0x88, s3;
	s6 =	simm.s32 @!p1 $0x1082;
	[sflag:s4] =	ssyncset.s32 $0xFFFFF086  }
0x25: {  	[simem:s6], [sflag:s4] =	dma.local [hbm:s3], $0xF7A  }
0x26: {  	[smem:$0x3F92] =	sst s1;
	(tag) =	ssettag s2;
	_ =	strace s9  }
0x27: {  	s1 =	sld [smem:$0x3FA2]  }
0x28: {  	s2 =	sld [smem:$0x3FA3]  }
0x29: {  	s4 =	sld [smem:$0x3FA5]  }
0x2a: {  	p0 =	seq.s32 s5, $0x0;
	s5 =	sld [smem:$0x3FA6]  }
0x2b: {  	s6 =	sld [smem:$0x3FA7]  }
0x2c: {  	s7 =	sld [smem:$0x3FA8]  }
0x2d: {  	s3 =	simm.s32 $0x108;
	s8 =	sld [smem:$0x3FA9]  }
0x2e: {  	s3 =	simm.s32 @!p0 $0x1082;
	s9 =	sld [smem:$0x3FAA]  }
0x2f: {  	lr =	sadd.s32 s0, s3;
	s0 =	sld [smem:$0x3FA1]  }
0x30: {  	s3 =	sld [smem:$0x3FA4]  }
0x31: {  	[smem:$0x3FAD] =	sst s10  }
0x32: {  	s10 =	sld [smem:$0x3FAB];
	_ =	sdelay $0x3  }
0x33: {  	p0 =	seq.s32 s10, $0x1;
	s10 =	sld [smem:$0x3FAD];
	_ =	sdelay $0x3  }
0x34: {  	[smem:$0x3FAD] =	sst s10  }
0x35: {  	s10 =	sld [smem:$0x3FAC];
	_ =	sdelay $0x3  }
0x36: {  	p1 =	seq.s32 s10, $0x1;
	s10 =	sld [smem:$0x3FAD];
	_ =	sdelay $0x3  }
0x37: {  	[smem:$0x3FAD] =	sst s10  }
0x38: {  	s10 =	sld [smem:$0x3FAE]  }
0x39: {  	_ = 	snop;
	(pc) =	sbr.ind lr, $3  }
0x3a: {  	_ = 	snop  }
0x3b: {  	_ = 	snop  }
0x3c: {  	p2 =	seq.s32 s10, $0x1;
	s10 =	sld [smem:$0x3FAD]  }
0x3d: {  	_ =	shalt  }
0x3e: {  	_ =	shalt  }
0x3f: {  	_ =	shalt  }
0x40: {  	_ =	shalt  }
0x41: {  	_ =	shalt  }
0x42: {  	_ =	shalt  }
0x43: {  	_ =	shalt  }
0x44: {  	_ =	shalt  }
0x45: {  	_ =	shalt  }
0x46: {  	_ =	shalt  }
0x47: {  	_ =	shalt  }
0x48: {  	_ =	shalt  }
0x49: {  	_ =	shalt  }
0x4a: {  	_ =	shalt  }
0x4b: {  	_ =	shalt  }
0x4c: {  	_ =	shalt  }
0x4d: {  	_ =	shalt  }
0x4e: {  	_ =	shalt  }
0x4f: {  	_ =	shalt  }
0x50: {  	_ =	shalt  }
0x51: {  	_ =	shalt  }
0x52: {  	_ =	shalt  }
0x53: {  	_ =	shalt  }
0x54: {  	_ =	shalt  }
0x55: {  	_ =	shalt  }
0x56: {  	_ =	shalt  }
0x57: {  	_ =	shalt  }
0x58: {  	_ =	shalt  }
0x59: {  	_ =	shalt  }
0x5a: {  	_ =	shalt  }
0x5b: {  	_ =	shalt  }
0x5c: {  	_ =	shalt  }
0x5d: {  	_ =	shalt  }
0x5e: {  	_ =	shalt  }
0x5f: {  	_ =	shalt  }
0x60: {  	_ =	shalt  }
0x61: {  	_ =	shalt  }
0x62: {  	_ =	shalt  }
0x63: {  	_ =	shalt  }
0x64: {  	_ =	shalt  }
0x65: {  	_ =	shalt  }
0x66: {  	_ =	shalt  }
0x67: {  	_ =	shalt  }
0x68: {  	_ =	shalt  }
0x69: {  	_ =	shalt  }
0x6a: {  	_ =	shalt  }
0x6b: {  	_ =	shalt  }
0x6c: {  	_ =	shalt  }
0x6d: {  	_ =	shalt  }
0x6e: {  	_ =	shalt  }
0x6f: {  	_ =	shalt  }
0x70: {  	_ =	shalt  }
0x71: {  	_ =	shalt  }
0x72: {  	_ =	shalt  }
0x73: {  	_ =	shalt  }
0x74: {  	_ =	shalt  }
0x75: {  	_ =	shalt  }
0x76: {  	_ =	shalt  }
0x77: {  	_ =	shalt  }
0x78: {  	_ =	shalt  }
0x79: {  	_ =	shalt  }
0x7a: {  	_ =	shalt  }
0x7b: {  	_ =	shalt  }
0x7c: {  	_ =	shalt  }
0x7d: {  	_ =	shalt  }
0x7e: {  	_ =	shalt  }
0x7f: {  	_ =	shalt  }
0x80: {  	_ =	shalt  }
0x81: {  	_ =	shalt  }
0x82: {  	_ =	shalt  }
0x83: {  	_ =	shalt  }
0x84: {  	_ =	shalt  }
0x85: {  	_ =	shalt  }
0x86: {  	_ =	shalt  }
0x87: {  	_ =	shalt  }
.Lfunc_end0:
.L_simem_size_0:
called_computation.2_lowered:
.L_overlay_start_0:
0x88: {  	s2 =	sld [smem:$0x3FD9]  }
0x89: {  	s3 =	sld [smem:$0x3FFE];
	_ =	sdelay $0x1  }
0x8a: {  	s1 =	srdreg.scid  }
0x8b: {  	s0 =	sand.u32 $0x1, s1  }
0x8c: {  	s16 =	sshll.u32 s0, $0xA;
	s2 =	sadd.s32 s3, s2  }
0x8d: {  	s2 =	sadd.s32 s2, s16  }
0x8e: {  	[smem:$0x3FB9] =	sst s2  }
0x8f: {  	_ = 	snop  }
0x90: {  	(tm) =	ssettm $0x1  }
0x91: {  	s17 =	sld [smem:$0x3FFB];
	_ =	sdelay $0x3  }
0x92: {  	_ =	strace s17  }
0x93: {  	s2 =	sld [smem:$0x3FFC];
	_ =	sdelay $0x3  }
0x94: {  	_ =	strace s2  }
0x95: {  	s2 =	sld [smem:$0x3FFD];
	_ =	sdelay $0x3  }
0x96: {  	_ =	strace s2  }
0x97: {  	_ =	strace $0x8FFFFFFF  }
0x98: {  	s18 =	sld [smem:$0x3FDB];
	_ =	sdelay $0x1  }
0x99: {  	s19 =	simm.s32 $_scs_section_size  }
0x9a: {  	s4 =	simm.s32 $_size__tile_overlayer_lowered;
	s5 =	simm.s32 $_tile_overlayer_lowered  }
0x9b: {  	s22 =	simm.s32 $0x1BFF;
	s21 =	sshll.u32 s5, $0x1;
	s2 =	sadd.s32 s19, s18  }
0x9c: {  	s6 =	simm.s32 $0x0;
	s20 =	sshll.u32 s4, $0x1;
	s4 =	sadd.s32 s21, s2  }
0x9d: {  	[timem:s6], [sflag:s22] =	dma.local [hbm:s4], s20  }
0x9e: {  	_ =	swait.ge [sflag:s22], s20  }
0x9f: {  	s3 =	ssub.s32 $0x0, s20;
	[sflag:s22] =	ssyncset.done $0x0  }
0xa0: {  	[sflag:s22] =	ssyncadd.s32 s3;
	_ =	sdelay $0x1  }
0xa1: {  	s23 =	simm.s32 $0x1B8B  }
0xa2: {  	_ =	swait.ge [sflag:s23], $0x1  }
0xa3: {  	[sflag:s23] =	ssyncset.done $0x0  }
0xa4: {  	s25 =	simm.s32 $0x1B8E;
	s24 =	sld [smem:$0x3FFE];
	[sflag:s23] =	ssyncadd.s32 $0xFFFFFFFF  }
0xa5: {  	s26 =	simm.s32 $execute0_lowered;
	[smem:$0x3FD2] =	sst s25  }
0xa6: {  	s4 =	sshll.u32 s26, $0x1;
	_ =	strace $0x80000049;
	[dreg:$0x1] =	wrdreg $0xFFFFFFFF  }
0xa7: {  	s28 =	simm.s32 $_size_execute0_lowered;
	s2 =	sadd.s32 s2, s4;
	[dreg:$0x0] =	wrdreg $0x0  }
0xa8: {  	s4 =	sshll.u32 s28, $0x1;
	[dreg:$0x2] =	wrdreg s2  }
0xa9: {  	[dreg:$0x3] =	wrdreg s4  }
0xaa: {  	[dreg:$0x4] =	wrdreg $0xC0  }
0xab: {  	_ =	task [dreg:s6], $0x5FFFF  }
0xac: {  	[dreg:$0x1] =	wrdreg $0xFFFFFFFF  }
0xad: {  	[dreg:$0x0] =	wrdreg $0x60  }
0xae: {  	[dreg:$0x2] =	wrdreg s24  }
0xaf: {  	[dreg:$0x3] =	wrdreg $0xA  }
0xb0: {  	_ =	task.clear_ibuf [dreg:s6], $0x4FFFF;
	_ =	strace $0x90000049  }
0xb1: {  	s29 =	simm.s32 $0xA;
	_ =	strace $0x8000004B  }
0xb2: {  	_ =	swait.ge [sflag:s29], $0x1  }
0xb3: {  	[sflag:s29] =	ssyncadd.s32 $0xFFFFFFFF  }
0xb4: {  	_ =	strace $0x9000004B  }
0xb5: {  	_ =	sfence  }
0xb6: {  	s30 =	sld [smem:$0x0];
	_ =	sdelay $0x2  }
0xb7: {  	s31 =	sshll.u32 s1, $0xD;
	s1 =	sshrl.u32 s1, $0x2  }
0xb8: {  	s3 =	sand.u32 $0x4000, s31;
	s1 =	sadd.s32 s1, s30  }
0xb9: {  	s0 =	sor.u32 s3, s0;
	s1 =	sshll.u32 s1, $0x11  }
0xba: {  	s0 =	sor.u32 s1, s0  }
0xbb: {  	s0 =	sadd.s32 $0x8F2B, s0  }
0xbc: {  	[sflag:s0] =	ssyncadd.remote.s32 $0x1  }
0xbd: {  	_ =	sfence.sel $0xFFFF  }
0xbe: {  	[dreg:$0x0] =	wrdreg $0xFFFFFFFF;
	(pc) =	sbr.abs _section_cstart, $3  }
0xbf: {  	[dreg:$0x1] =	wrdreg $0xFFFFFFFF  }
0xc0: {  	_ =	task.clear_ibuf [dreg:s6], $0x2FFFF;
	_ =	strace $0x9FFFFFFF  }
0xc1: {  	(tm) =	ssettm $0x7FFFFFFF  }
tec
execute0_lowered:
.L_overlay_start_1:
0x0: {  	(tag) =	ssettag $0x1  }
0x1: {  	s4 =	rddreg [dreg:$0x0]  }
0x2: {  	s0 =	rddreg [dreg:$0x1]  }
0x3: {  	s3 =	srdreg.scid;
	s1 =	stileid.u32;
	s2 =	simm.s32 $0x0  }
0x4: {  	s11 =	simm.s32 $0x0;
	s5 =	sand.u32 $0x1, s3;
	s28 =	sshll.u32 s1, $0x1  }
0x5: {  	[smem:$0x7FF] =	sst s2;
	s7 =	smul.u32 $0x30000, s1;
	s3 =	sor.u32 s5, s28  }
0x6: {  	_ =	strace $0x8000004A;
	s8 =	ssub.s32 $0x2, s5;
	s10 =	smul.u32 $0x18000, s5  }
0x7: {  	s6 =	smul.u32 $0x1800, s3;
	s3 =	sadd.s32 $0x11A00, s4;
	s9 =	sshrl.u32 s8, $0x1  }
0x8: {  	s30 =	sadd.s32 s7, s4;
	s7 =	simm.s32 $0x2;
	s31 =	ssub.s32 s8, s9  }
0x9: {  	s8 =	simm.s32 $0x80;
	s9 =	simm.s32 $0x1800;
	s6 =	sshrl.u32 s6, $0x3  }
0xa: {  	s5 =	smax.u32 s31, $0x1;
	s29 =	sadd.s32 s6, s4;
	s6 =	sadd.s32 s10, s30  }
0xb: {  	s10 =	simm.s32 $0x1;
	s4 =	sadd.s32 $0x4DC00, s29;
	s6 =	sadd.s32 $0x54200, s6  }
.LBB2_1:
0xc: {  	[tilespmem:s2], [sflag:$0x2] =	stream.linear.gather [hbm4b:s4+s2], $0x1800, $0x38;
	[tilespmem:$0x5800] =	vst v63  }
0xd: {  	_ =	swait.ge [sflag:s7], $0x1800  }
0xe: {  	[sflag:s7] =	ssyncset.done $0x0  }
0xf: {  	s12 =	simm.s32 $0x0;
	[sflag:s7] =	ssyncadd.s32 $0xFFFFE800  }
0x10: {  	[tilespmem:s9], [sflag:$0x1] =	stream.indirect.gather [hbm4b:s3+s8], $0x80, s12, s8, $0xb8;
	[tilespmem:$0x5800] =	vst v63  }
0x11: {  	_ =	swait.ge [sflag:s10], $0x4000  }
0x12: {  	[sflag:s10] =	ssyncset.done $0x0  }
0x13: {  	[sflag:s10] =	ssyncadd.s32 $0xFFFFC000  }
0x14: {  	[hbm4b:s6+s2] =	stream.linear.scatter [tilespmem:s9], [sflag:$0x2], $0x4000, $0x38;
	[tilespmem:$0x5800] =	vst v63  }
0x15: {  	s13 =	simm.s32 $0x200;
	_ =	swait.ge [sflag:s7], $0x4000  }
0x16: {  	s14 =	simm.s32 $0x400;
	s12 =	sadd.s32 $0x800, s6;
	[sflag:s7] =	ssyncset.done $0x0  }
.LBB2_2:
0x17: {  	s15 =	sshra.s32 s13, $0x2  }
0x18: {  	[sflag:s7] =	ssyncadd.s32 $0xFFFFC000;
	s13 =	smov.u32 s14;
	s16 =	sadd.s32 $0x200, s14  }
0x19: {  	[tilespmem:s9], [sflag:$0x1] =	stream.indirect.gather [hbm4b:s3+s8], $0x80, s15, s8, $0xb8;
	[tilespmem:$0x5800] =	vst v63  }
0x1a: {  	p0 =	sne.s32 s14, $0x5E00;
	_ =	swait.ge [sflag:s10], $0x4000  }
.Ltmp0:
0x1b: {  	[sflag:s10] =	ssyncset.done $0x0;
	(pc) =	sbr.rel @p0 .LBB2_2-.Ltmp0, $4  }
0x1c: {  	[sflag:s10] =	ssyncadd.s32 $0xFFFFC000  }
0x1d: {  	[hbm4b:s12+s2] =	stream.linear.scatter [tilespmem:s9], [sflag:$0x2], $0x4000, $0x38;
	[tilespmem:$0x5800] =	vst v63  }
0x1e: {  	_ =	swait.ge [sflag:s7], $0x4000  }
0x1f: {  	s14 =	smov.u32 s16;
	s12 =	sadd.s32 $0x800, s12;
	[sflag:s7] =	ssyncset.done $0x0  }
0x20: {  	s13 =	sshra.s32 s13, $0x2;
	[sflag:s7] =	ssyncadd.s32 $0xFFFFC000  }
0x21: {  	[tilespmem:s9], [sflag:$0x1] =	stream.indirect.gather [hbm4b:s3+s8], $0x80, s13, s8, $0xb8;
	[tilespmem:$0x5800] =	vst v63  }
0x22: {  	s11 =	sadd.s32 $0x1, s11;
	_ =	swait.ge [sflag:s10], $0x4000  }
0x23: {  	p0 =	sne.s32 s11, s5;
	[sflag:s10] =	ssyncset.done $0x0  }
.Ltmp1:
0x24: {  	[sflag:s10] =	ssyncadd.s32 $0xFFFFC000;
	(pc) =	sbr.rel @p0 .LBB2_1-.Ltmp1, $4  }
0x25: {  	[hbm4b:s12+s2] =	stream.linear.scatter [tilespmem:s9], [sflag:$0x2], $0x4000, $0x38;
	[tilespmem:$0x5800] =	vst v63  }
0x26: {  	_ =	swait.ge [sflag:s7], $0x4000  }
0x27: {  	[sflag:s7] =	ssyncset.done $0x0  }
0x28: {  	[sflag:s7] =	ssyncadd.s32 $0xFFFFC000  }
0x29: {  	_ =	sfence.sel $0x180000  }
0x2a: {  	[bflag:$0x0] =	sbarrier.arrive $0xFFFF  }
0x2b: {  	p0 =	sne.s32 s1, $0x0;
	_ =	strace $0x9000004A  }
0x2c: {  	s0 =	sadd.s32 @!p0 $0x100000, s0;
	[bflag:$0x2] =	sbarrier.arrive $0xFFFF  }
0x2d: {  	[sflag:s0] =	ssyncadd.tile.s32 @!p0 $0x1;
	_ =	shalt  }
.Lfunc_end2:
_tile_overlayer_lowered:
.L_overlay_start_2:
0x2e: {  	(tag) =	ssettag $0x2  }
0x2f: {  	s0 =	rddreg [dreg:$0x0];
	s2 =	stileid.u32  }
0x30: {  	s1 =	rddreg [dreg:$0x1];
	p0 =	sne.s32 s2, $0x0  }
0x31: {  	s3 =	rddreg [dreg:$0x2];
	[bflag:$0x3] =	sbarrier.arrive $0xFFFF;
	s2 =	simm.s32 @!p0 $0x1C02  }
0x32: {  	[timem:s3], [sflag:s2] =	dma.local @!p0 [hbm:s0], s1  }
0x33: {  	s0 =	simm.s32 @!p0 $0x2  }
0x34: {  	_ =	swait.ge @!p0 [sflag:s0], s1  }
0x35: {  	s1 =	ssub.s32 @!p0 $0x0, s1;
	[sflag:s0] =	ssyncset.done @!p0 $0x0  }
0x36: {  	[sflag:s0] =	ssyncadd.s32 @!p0 s1  }
0x37: {  	[bflag:$0x3] =	sbarrier.arrive $0xFFFF  }
0x38: {  	_ =	shalt  }

// kernel: kernel.9.cloned.1.call-start
scs
__scs_entry_jumppad:
0x0: {  	(pc) =	sbr.rel $0x88, $3  }
0x1: {  	(tag) =	ssettag $0x0;
	lr =	simm.s32 $0x1  }
0x2: {  	[smem:$0x3F92] =	sst lr;
	_ =	strace $0xD0000000  }
0x3: {  	_ = 	snop  }
0x4: {  	_ = 	snop  }
0x5: {  	_ = 	snop  }
0x6: {  	_ = 	snop  }
0x7: {  	_ = 	snop  }
__scs_overlays_trampoline_lowered:
0x8: {  	[smem:$0x3FA1] =	sst s0  }
0x9: {  	[smem:$0x3FA2] =	sst s1  }
0xa: {  	[smem:$0x3FA3] =	sst s2  }
0xb: {  	[smem:$0x3FA4] =	sst s3  }
0xc: {  	[smem:$0x3FA5] =	sst s4  }
0xd: {  	[smem:$0x3FA6] =	sst s5  }
0xe: {  	[smem:$0x3FA7] =	sst s6  }
0xf: {  	[smem:$0x3FA8] =	sst s7  }
0x10: {  	[smem:$0x3FA9] =	sst s8  }
0x11: {  	[smem:$0x3FAA] =	sst s9;
	s0 =	simm.s32 @!p0 $0x0  }
0x12: {  	s1 =	sld [smem:$0x3F90];
	s0 =	simm.s32 @p0 $0x1  }
0x13: {  	[smem:$0x3FAB] =	sst s0;
	s0 =	simm.s32 @!p1 $0x0  }
0x14: {  	s2 =	sld [smem:$0x3F8F];
	s0 =	simm.s32 @p1 $0x1  }
0x15: {  	[smem:$0x3FAC] =	sst s0;
	s0 =	simm.s32 @!p2 $0x0  }
0x16: {  	s3 =	sld [smem:$0x3FDB];
	s0 =	simm.s32 @p2 $0x1  }
0x17: {  	s4 =	simm.s32 $0x1BF5;
	[smem:$0x3FAE] =	sst s0  }
0x18: {  	s0 =	sld [smem:$0x3F91];
	_ =	swait.ge [sflag:s4], $0x0  }
0x19: {  	s7 =	sld [smem:$0x3F92]  }
0x1a: {  	s8 =	sadd.s32 $0xFFFFE003, lr  }
0x1b: {  	s9 =	sadd.s32 $0xFFFFFEF7, lr;
	s5 =	simm.s32 $0xFFFFFFFF;
	p2 =	slt.u32 s8, $0xFFFFF086  }
0x1c: {  	p1 =	slt.u32 s9, $0xF7A;
	s5 =	simm.s32 @!p2 $0x0  }
0x1d: {  	s5 =	simm.s32 @p1 $0x1;
	p0 =	seq.s32 s7, s2  }
0x1e: {  	s7 =	smul.u32 @!p0 $0xF7A, s2;
	p2 =	seq.s32 @!p0 s5, $0x0  }
0x1f: {  	s9 =	smul.u32 $0xF7A, s1;
	s8 =	simm.s32 @!p0 $0x1BF5;
	p2 =	por !p2, p0  }
0x20: {  	[sflag:s8] =	ssyncset.s32 @!p0 $0xFFFFF086;
	s6 =	sadd.s32 @!p0 s3, s7;
	s7 =	simm.s32 @!p0 $0x108  }
0x21: {  	s3 =	sadd.s32 s3, s9;
	s6 =	sadd.s32 @!p0 $0x88, s6;
	s7 =	simm.s32 @p2 $0x1082  }
0x22: {  	[simem:s7], [sflag:s8] =	dma.local @!p0 [hbm:s6], $0xF7A  }
0x23: {  	s9 =	sor.u32 $0xD0000000, s2;
	s6 =	simm.s32 $0x108;
	_ =	swait.ge @!p0 [sflag:s8], $0x0  }
0x24: {  	s3 =	sadd.s32 $0x88, s3;
	s6 =	simm.s32 @!p1 $0x1082;
	[sflag:s4] =	ssyncset.s32 $0xFFFFF086  }
0x25: {  	[simem:s6], [sflag:s4] =	dma.local [hbm:s3], $0xF7A  }
0x26: {  	[smem:$0x3F92] =	sst s1;
	(tag) =	ssettag s2;
	_ =	strace s9  }
0x27: {  	s1 =	sld [smem:$0x3FA2]  }
0x28: {  	s2 =	sld [smem:$0x3FA3]  }
0x29: {  	s4 =	sld [smem:$0x3FA5]  }
0x2a: {  	p0 =	seq.s32 s5, $0x0;
	s5 =	sld [smem:$0x3FA6]  }
0x2b: {  	s6 =	sld [smem:$0x3FA7]  }
0x2c: {  	s7 =	sld [smem:$0x3FA8]  }
0x2d: {  	s3 =	simm.s32 $0x108;
	s8 =	sld [smem:$0x3FA9]  }
0x2e: {  	s3 =	simm.s32 @!p0 $0x1082;
	s9 =	sld [smem:$0x3FAA]  }
0x2f: {  	lr =	sadd.s32 s0, s3;
	s0 =	sld [smem:$0x3FA1]  }
0x30: {  	s3 =	sld [smem:$0x3FA4]  }
0x31: {  	[smem:$0x3FAD] =	sst s10  }
0x32: {  	s10 =	sld [smem:$0x3FAB];
	_ =	sdelay $0x3  }
0x33: {  	p0 =	seq.s32 s10, $0x1;
	s10 =	sld [smem:$0x3FAD];
	_ =	sdelay $0x3  }
0x34: {  	[smem:$0x3FAD] =	sst s10  }
0x35: {  	s10 =	sld [smem:$0x3FAC];
	_ =	sdelay $0x3  }
0x36: {  	p1 =	seq.s32 s10, $0x1;
	s10 =	sld [smem:$0x3FAD];
	_ =	sdelay $0x3  }
0x37: {  	[smem:$0x3FAD] =	sst s10  }
0x38: {  	s10 =	sld [smem:$0x3FAE]  }
0x39: {  	_ = 	snop;
	(pc) =	sbr.ind lr, $3  }
0x3a: {  	_ = 	snop  }
0x3b: {  	_ = 	snop  }
0x3c: {  	p2 =	seq.s32 s10, $0x1;
	s10 =	sld [smem:$0x3FAD]  }
0x3d: {  	_ =	shalt  }
0x3e: {  	_ =	shalt  }
0x3f: {  	_ =	shalt  }
0x40: {  	_ =	shalt  }
0x41: {  	_ =	shalt  }
0x42: {  	_ =	shalt  }
0x43: {  	_ =	shalt  }
0x44: {  	_ =	shalt  }
0x45: {  	_ =	shalt  }
0x46: {  	_ =	shalt  }
0x47: {  	_ =	shalt  }
0x48: {  	_ =	shalt  }
0x49: {  	_ =	shalt  }
0x4a: {  	_ =	shalt  }
0x4b: {  	_ =	shalt  }
0x4c: {  	_ =	shalt  }
0x4d: {  	_ =	shalt  }
0x4e: {  	_ =	shalt  }
0x4f: {  	_ =	shalt  }
0x50: {  	_ =	shalt  }
0x51: {  	_ =	shalt  }
0x52: {  	_ =	shalt  }
0x53: {  	_ =	shalt  }
0x54: {  	_ =	shalt  }
0x55: {  	_ =	shalt  }
0x56: {  	_ =	shalt  }
0x57: {  	_ =	shalt  }
0x58: {  	_ =	shalt  }
0x59: {  	_ =	shalt  }
0x5a: {  	_ =	shalt  }
0x5b: {  	_ =	shalt  }
0x5c: {  	_ =	shalt  }
0x5d: {  	_ =	shalt  }
0x5e: {  	_ =	shalt  }
0x5f: {  	_ =	shalt  }
0x60: {  	_ =	shalt  }
0x61: {  	_ =	shalt  }
0x62: {  	_ =	shalt  }
0x63: {  	_ =	shalt  }
0x64: {  	_ =	shalt  }
0x65: {  	_ =	shalt  }
0x66: {  	_ =	shalt  }
0x67: {  	_ =	shalt  }
0x68: {  	_ =	shalt  }
0x69: {  	_ =	shalt  }
0x6a: {  	_ =	shalt  }
0x6b: {  	_ =	shalt  }
0x6c: {  	_ =	shalt  }
0x6d: {  	_ =	shalt  }
0x6e: {  	_ =	shalt  }
0x6f: {  	_ =	shalt  }
0x70: {  	_ =	shalt  }
0x71: {  	_ =	shalt  }
0x72: {  	_ =	shalt  }
0x73: {  	_ =	shalt  }
0x74: {  	_ =	shalt  }
0x75: {  	_ =	shalt  }
0x76: {  	_ =	shalt  }
0x77: {  	_ =	shalt  }
0x78: {  	_ =	shalt  }
0x79: {  	_ =	shalt  }
0x7a: {  	_ =	shalt  }
0x7b: {  	_ =	shalt  }
0x7c: {  	_ =	shalt  }
0x7d: {  	_ =	shalt  }
0x7e: {  	_ =	shalt  }
0x7f: {  	_ =	shalt  }
0x80: {  	_ =	shalt  }
0x81: {  	_ =	shalt  }
0x82: {  	_ =	shalt  }
0x83: {  	_ =	shalt  }
0x84: {  	_ =	shalt  }
0x85: {  	_ =	shalt  }
0x86: {  	_ =	shalt  }
0x87: {  	_ =	shalt  }
.Lfunc_end0:
.L_simem_size_0:
called_computation_lowered:
.L_overlay_start_0:
0x88: {  	s2 =	sld [smem:$0x3FD9]  }
0x89: {  	s3 =	sld [smem:$0x3FFE];
	_ =	sdelay $0x1  }
0x8a: {  	s1 =	srdreg.scid  }
0x8b: {  	s0 =	sand.u32 $0x1, s1  }
0x8c: {  	s16 =	sshll.u32 s0, $0xA;
	s2 =	sadd.s32 s3, s2  }
0x8d: {  	s2 =	sadd.s32 s2, s16  }
0x8e: {  	[smem:$0x3FB9] =	sst s2  }
0x8f: {  	_ = 	snop  }
0x90: {  	(tm) =	ssettm $0x1  }
0x91: {  	s17 =	sld [smem:$0x3FFB];
	_ =	sdelay $0x3  }
0x92: {  	_ =	strace s17  }
0x93: {  	s2 =	sld [smem:$0x3FFC];
	_ =	sdelay $0x3  }
0x94: {  	_ =	strace s2  }
0x95: {  	s2 =	sld [smem:$0x3FFD];
	_ =	sdelay $0x3  }
0x96: {  	_ =	strace s2  }
0x97: {  	_ =	strace $0x8FFFFFFF  }
0x98: {  	s18 =	sld [smem:$0x3FDB];
	_ =	sdelay $0x1  }
0x99: {  	s19 =	simm.s32 $_scs_section_size  }
0x9a: {  	s4 =	simm.s32 $_size__tile_overlayer_lowered;
	s5 =	simm.s32 $_tile_overlayer_lowered  }
0x9b: {  	s22 =	simm.s32 $0x1BFF;
	s21 =	sshll.u32 s5, $0x1;
	s2 =	sadd.s32 s19, s18  }
0x9c: {  	s6 =	simm.s32 $0x0;
	s20 =	sshll.u32 s4, $0x1;
	s4 =	sadd.s32 s21, s2  }
0x9d: {  	[timem:s6], [sflag:s22] =	dma.local [hbm:s4], s20  }
0x9e: {  	_ =	swait.ge [sflag:s22], s20  }
0x9f: {  	s3 =	ssub.s32 $0x0, s20;
	[sflag:s22] =	ssyncset.done $0x0  }
0xa0: {  	[sflag:s22] =	ssyncadd.s32 s3;
	_ =	sdelay $0x1  }
0xa1: {  	s23 =	simm.s32 $0x1B8B  }
0xa2: {  	_ =	swait.ge [sflag:s23], $0x1  }
0xa3: {  	[sflag:s23] =	ssyncset.done $0x0  }
0xa4: {  	s25 =	simm.s32 $0x1B8E;
	s24 =	sld [smem:$0x3FFE];
	[sflag:s23] =	ssyncadd.s32 $0xFFFFFFFF  }
0xa5: {  	s26 =	simm.s32 $execute0_lowered;
	[smem:$0x3FD2] =	sst s25  }
0xa6: {  	s4 =	sshll.u32 s26, $0x1;
	_ =	strace $0x80000046;
	[dreg:$0x1] =	wrdreg $0xFFFFFFFF  }
0xa7: {  	s28 =	simm.s32 $_size_execute0_lowered;
	s2 =	sadd.s32 s2, s4;
	[dreg:$0x0] =	wrdreg $0x0  }
0xa8: {  	s4 =	sshll.u32 s28, $0x1;
	[dreg:$0x2] =	wrdreg s2  }
0xa9: {  	[dreg:$0x3] =	wrdreg s4  }
0xaa: {  	[dreg:$0x4] =	wrdreg $0xC0  }
0xab: {  	_ =	task [dreg:s6], $0x5FFFF  }
0xac: {  	[dreg:$0x1] =	wrdreg $0xFFFFFFFF  }
0xad: {  	[dreg:$0x0] =	wrdreg $0x60  }
0xae: {  	[dreg:$0x2] =	wrdreg s24  }
0xaf: {  	[dreg:$0x3] =	wrdreg $0x9  }
0xb0: {  	_ =	task.clear_ibuf [dreg:s6], $0x4FFFF;
	_ =	strace $0x90000046  }
0xb1: {  	s29 =	simm.s32 $0x9;
	_ =	strace $0x80000048  }
0xb2: {  	_ =	swait.ge [sflag:s29], $0x1  }
0xb3: {  	[sflag:s29] =	ssyncadd.s32 $0xFFFFFFFF  }
0xb4: {  	_ =	strace $0x90000048  }
0xb5: {  	_ =	sfence  }
0xb6: {  	s30 =	sld [smem:$0x0];
	_ =	sdelay $0x2  }
0xb7: {  	s31 =	sshll.u32 s1, $0xD;
	s1 =	sshrl.u32 s1, $0x2  }
0xb8: {  	s3 =	sand.u32 $0x4000, s31;
	s1 =	sadd.s32 s1, s30  }
0xb9: {  	s0 =	sor.u32 s3, s0;
	s1 =	sshll.u32 s1, $0x11  }
0xba: {  	s0 =	sor.u32 s1, s0  }
0xbb: {  	s0 =	sadd.s32 $0x8F2B, s0  }
0xbc: {  	[sflag:s0] =	ssyncadd.remote.s32 $0x1  }
0xbd: {  	_ =	sfence.sel $0xFFFF  }
0xbe: {  	[dreg:$0x0] =	wrdreg $0xFFFFFFFF;
	(pc) =	sbr.abs _section_cstart, $3  }
0xbf: {  	[dreg:$0x1] =	wrdreg $0xFFFFFFFF  }
0xc0: {  	_ =	task.clear_ibuf [dreg:s6], $0x2FFFF;
	_ =	strace $0x9FFFFFFF  }
0xc1: {  	(tm) =	ssettm $0x7FFFFFFF  }
tec
execute0_lowered:
.L_overlay_start_1:
0x0: {  	(tag) =	ssettag $0x1  }
0x1: {  	s1 =	srdreg.scid  }
0x2: {  	s0 =	stileid.u32;
	s4 =	rddreg [dreg:$0x0]  }
0x3: {  	s2 =	simm.s32 $0x0;
	s3 =	sand.u32 $0x1, s1;
	s31 =	sshll.u32 s0, $0x1  }
0x4: {  	s11 =	simm.s32 $0x8000;
	s1 =	rddreg [dreg:$0x1];
	s5 =	sor.u32 s3, s31  }
0x5: {  	s12 =	simm.s32 $0x0;
	[smem:$0x7FF] =	sst s2;
	s6 =	smul.u32 $0x600, s5  }
0x6: {  	s7 =	ssub.s32 $0x2, s3;
	_ =	strace $0x80000047;
	s5 =	smul.u32 $0x1800, s5  }
0x7: {  	s3 =	sadd.s32 $0x4A00, s4;
	s8 =	sshrl.u32 s7, $0x1;
	s6 =	sadd.s32 s6, s4  }
0x8: {  	s10 =	ssub.s32 s7, s8;
	s9 =	sadd.s32 s5, s4;
	s4 =	sadd.s32 $0x11A00, s6  }
0x9: {  	s5 =	sadd.s32 $0x1DA00, s9;
	s6 =	sadd.s32 $0x1DA10, s9;
	s7 =	sadd.s32 $0x1DA20, s9  }
0xa: {  	s8 =	sadd.s32 $0x1DA30, s9;
	s9 =	smax.u32 s10, $0x1;
	s10 =	simm.s32 $0x1  }
.LBB2_1:
0xb: {  	[tilespmem:s2], [sflag:$0x1] =	stream.linear.gather [hbm4b:s3+s2], $0x8000, $0x38;
	[tilespmem:$0x17000] =	vst v63  }
0xc: {  	_ =	swait.ge [sflag:s10], $0x8000  }
0xd: {  	[sflag:s10] =	ssyncset.done $0x0  }
0xe: {  	[sflag:s10] =	ssyncadd.s32 $0xFFFF8000  }
0xf: {  	[tilespmem:s11], [sflag:$0x1] =	stream.linear.gather [hbm4b:s4+s2], $0x3000, $0x38;
	[tilespmem:$0x17000] =	vst v63  }
0x10: {  	_ =	swait.ge [sflag:s10], $0x3000  }
0x11: {  	[sflag:s10] =	ssyncset.done $0x0  }
0x12: {  	s13 =	simm.s32 $0x0;
	[sflag:s10] =	ssyncadd.s32 $0xFFFFD000  }
0x13: {  	v0 =	vld [tilespmem:s13+$0x8000];
	_ =	sdelay $0x7  }
0x14: {  	v1 =	vld.idx.msk [tilespmem:v0+s2+$0x0], $0xffff  }
0x15: {  	v2 =	vadd.s32 $0x2000, v0;
	_ =	sdelay $0x1  }
0x16: {  	s31 =	sand.u32 $0x70, s2;
	s14 =	sand.u32 $0xFE00, s2  }
0x17: {  	s16 =	sor.u32 s31, s14  }
0x18: {  	[tilespmem:s16+$0xB000] =	vst v1  }
0x19: {  	v1 =	vld.idx.msk [tilespmem:v2+s2+$0x0], $0xffff  }
0x1a: {  	v2 =	vadd.s32 $0x4000, v0;
	_ =	sdelay $0x3  }
0x1b: {  	[tilespmem:s16+$0xB080] =	vst v1  }
0x1c: {  	v1 =	vld.idx.msk [tilespmem:v2+s2+$0x0], $0xffff  }
0x1d: {  	v0 =	vadd.s32 $0x6000, v0;
	_ =	sdelay $0x3  }
0x1e: {  	[tilespmem:s16+$0xB100] =	vst v1  }
0x1f: {  	v0 =	vld.idx.msk [tilespmem:v0+s2+$0x0], $0xffff;
	_ =	sdelay $0x2  }
0x20: {  	s15 =	simm.s32 $0x20;
	s14 =	simm.s32 $0x40;
	s13 =	simm.s32 $0x10  }
.LBB2_2:
0x21: {  	p0 =	sne.s32 s15, $0x2FF0  }
0x22: {  	s17 =	sshra.s32 s14, $0x2;
	[tilespmem:s16+$0xB180] =	vst v0;
	s16 =	smov.u32 s15;
	s15 =	sadd.s32 $0x10, s15  }
0x23: {  	v0 =	vld [tilespmem:s17+$0x8000];
	_ =	sdelay $0x7  }
0x24: {  	v1 =	vld.idx.msk [tilespmem:v0+s2+$0x0], $0xffff;
	_ =	sdelay $0x1  }
0x25: {  	v2 =	vadd.s32 $0x2000, v0;
	_ =	sdelay $0x1  }
0x26: {  	s18 =	sand.u32 $0xFE00, s14;
	s17 =	sand.u32 $0x70, s13;
	s13 =	smov.u32 s16  }
0x27: {  	s16 =	sor.u32 s17, s18  }
0x28: {  	[tilespmem:s16+$0xB000] =	vst v1  }
0x29: {  	v1 =	vld.idx.msk [tilespmem:v2+s2+$0x0], $0xffff;
	_ =	sdelay $0x1  }
0x2a: {  	v2 =	vadd.s32 $0x4000, v0;
	_ =	sdelay $0x3  }
0x2b: {  	[tilespmem:s16+$0xB080] =	vst v1  }
0x2c: {  	v1 =	vld.idx.msk [tilespmem:v2+s2+$0x0], $0xffff;
	_ =	sdelay $0x1  }
0x2d: {  	v0 =	vadd.s32 $0x6000, v0;
	_ =	sdelay $0x3  }
0x2e: {  	[tilespmem:s16+$0xB100] =	vst v1  }
0x2f: {  	v0 =	vld.idx.msk [tilespmem:v0+s2+$0x0], $0xffff  }
.Ltmp0:
0x30: {  	(pc) =	sbr.rel @p0 .LBB2_2-.Ltmp0, $2  }
0x31: {  	_ =	sdelay $0x2  }
0x32: {  	s14 =	sadd.s32 $0x40, s14  }
0x33: {  	s15 =	sshra.s32 s14, $0x2;
	[tilespmem:s16+$0xB180] =	vst v0  }
0x34: {  	v0 =	vld [tilespmem:s15+$0x8000];
	_ =	sdelay $0x7  }
0x35: {  	v1 =	vld.idx.msk [tilespmem:v0+s2+$0x0], $0xffff  }
0x36: {  	v2 =	vadd.s32 $0x2000, v0;
	_ =	sdelay $0x1  }
0x37: {  	s13 =	sand.u32 $0x70, s13;
	s31 =	sand.u32 $0xFE00, s14  }
0x38: {  	s14 =	sor.u32 s13, s31  }
0x39: {  	[tilespmem:s14+$0xB000] =	vst v1  }
0x3a: {  	v1 =	vld.idx.msk [tilespmem:v2+s2+$0x0], $0xffff  }
0x3b: {  	v63 =	vadd.s32 $0x4000, v0;
	_ =	sdelay $0x3  }
0x3c: {  	[tilespmem:s14+$0xB080] =	vst v1  }
0x3d: {  	v1 =	vld.idx.msk [tilespmem:v63+s2+$0x0], $0xffff  }
0x3e: {  	v0 =	vadd.s32 $0x6000, v0;
	_ =	sdelay $0x3  }
0x3f: {  	[tilespmem:s14+$0xB100] =	vst v1  }
0x40: {  	v0 =	vld.idx.msk [tilespmem:v0+s2+$0x0], $0xffff;
	_ =	sdelay $0x3  }
0x41: {  	s16 =	sadd.s32 $0x0, s5  }
0x42: {  	s13 =	simm.s32 $0xB000;
	s15 =	simm.s32 $0xB200;
	[tilespmem:s14+$0xB180] =	vst v0;
	s14 =	simm.s32 $0x40  }
.LBB2_4:
0x43: {  	[hbm4b:s16+s2] =	stream.linear.scatter [tilespmem:s13], [sflag:$0x1], $0x80, $0x38;
	[tilespmem:$0x17000] =	vst v63  }
0x44: {  	s16 =	smov.u32 s14;
	s13 =	smov.u32 s15;
	p0 =	sne.s32 s14, $0x17C0  }
.Ltmp1:
0x45: {  	s14 =	sadd.s32 $0x40, s14;
	(pc) =	sbr.rel @p0 .LBB2_4-.Ltmp1, $2  }
0x46: {  	_ =	sdelay $0x2  }
0x47: {  	s15 =	sadd.s32 $0x200, s15;
	s16 =	sadd.s32 s16, s5  }
0x48: {  	[hbm4b:s16+s2] =	stream.linear.scatter [tilespmem:s13], [sflag:$0x1], $0x80, $0x38;
	[tilespmem:$0x17000] =	vst v63  }
0x49: {  	_ =	swait.ge [sflag:s10], $0x3000  }
0x4a: {  	s13 =	simm.s32 $0xB080;
	s14 =	simm.s32 $0x40;
	[sflag:s10] =	ssyncset.done $0x0  }
0x4b: {  	s16 =	sadd.s32 $0x0, s6;
	s15 =	simm.s32 $0xB280;
	[sflag:s10] =	ssyncadd.s32 $0xFFFFD000  }
.LBB2_6:
0x4c: {  	[hbm4b:s16+s2] =	stream.linear.scatter [tilespmem:s13], [sflag:$0x1], $0x80, $0x38;
	[tilespmem:$0x17000] =	vst v63  }
0x4d: {  	s16 =	smov.u32 s14;
	s13 =	smov.u32 s15;
	p0 =	sne.s32 s14, $0x17C0  }
.Ltmp2:
0x4e: {  	s14 =	sadd.s32 $0x40, s14;
	(pc) =	sbr.rel @p0 .LBB2_6-.Ltmp2, $2  }
0x4f: {  	_ =	sdelay $0x2  }
0x50: {  	s15 =	sadd.s32 $0x200, s15;
	s16 =	sadd.s32 s16, s6  }
0x51: {  	[hbm4b:s16+s2] =	stream.linear.scatter [tilespmem:s13], [sflag:$0x1], $0x80, $0x38;
	[tilespmem:$0x17000] =	vst v63  }
0x52: {  	_ =	swait.ge [sflag:s10], $0x3000  }
0x53: {  	s13 =	simm.s32 $0xB100;
	s14 =	simm.s32 $0x40;
	[sflag:s10] =	ssyncset.done $0x0  }
0x54: {  	s16 =	sadd.s32 $0x0, s7;
	s15 =	simm.s32 $0xB300;
	[sflag:s10] =	ssyncadd.s32 $0xFFFFD000  }
.LBB2_8:
0x55: {  	[hbm4b:s16+s2] =	stream.linear.scatter [tilespmem:s13], [sflag:$0x1], $0x80, $0x38;
	[tilespmem:$0x17000] =	vst v63  }
0x56: {  	s16 =	smov.u32 s14;
	s13 =	smov.u32 s15;
	p0 =	sne.s32 s14, $0x17C0  }
.Ltmp3:
0x57: {  	s14 =	sadd.s32 $0x40, s14;
	(pc) =	sbr.rel @p0 .LBB2_8-.Ltmp3, $2  }
0x58: {  	_ =	sdelay $0x2  }
0x59: {  	s15 =	sadd.s32 $0x200, s15;
	s16 =	sadd.s32 s16, s7  }
0x5a: {  	[hbm4b:s16+s2] =	stream.linear.scatter [tilespmem:s13], [sflag:$0x1], $0x80, $0x38;
	[tilespmem:$0x17000] =	vst v63  }
0x5b: {  	_ =	swait.ge [sflag:s10], $0x3000  }
0x5c: {  	s13 =	simm.s32 $0xB180;
	s14 =	simm.s32 $0x40;
	[sflag:s10] =	ssyncset.done $0x0  }
0x5d: {  	s16 =	sadd.s32 $0x0, s8;
	s15 =	simm.s32 $0xB380;
	[sflag:s10] =	ssyncadd.s32 $0xFFFFD000  }
.LBB2_10:
0x5e: {  	[hbm4b:s16+s2] =	stream.linear.scatter [tilespmem:s13], [sflag:$0x1], $0x80, $0x38;
	[tilespmem:$0x17000] =	vst v63  }
0x5f: {  	s16 =	smov.u32 s14;
	s13 =	smov.u32 s15;
	p0 =	sne.s32 s14, $0x17C0  }
.Ltmp4:
0x60: {  	s14 =	sadd.s32 $0x40, s14;
	(pc) =	sbr.rel @p0 .LBB2_10-.Ltmp4, $2  }
0x61: {  	_ =	sdelay $0x2  }
0x62: {  	s15 =	sadd.s32 $0x200, s15;
	s16 =	sadd.s32 s16, s8  }
0x63: {  	s12 =	sadd.s32 $0x1, s12  }
0x64: {  	p0 =	sne.s32 s12, s9  }
.Ltmp5:
0x65: {  	_ = 	snop;
	(pc) =	sbr.rel @p0 .LBB2_1-.Ltmp5, $4  }
0x66: {  	[hbm4b:s16+s2] =	stream.linear.scatter [tilespmem:s13], [sflag:$0x1], $0x80, $0x38;
	[tilespmem:$0x17000] =	vst v63  }
0x67: {  	_ =	swait.ge [sflag:s10], $0x3000  }
0x68: {  	[sflag:s10] =	ssyncset.done $0x0  }
0x69: {  	[sflag:s10] =	ssyncadd.s32 $0xFFFFD000  }
0x6a: {  	_ =	sfence.sel $0x180000  }
0x6b: {  	[bflag:$0x0] =	sbarrier.arrive $0xFFFF  }
0x6c: {  	p0 =	sne.s32 s0, $0x0;
	_ =	strace $0x90000047  }
0x6d: {  	s0 =	sadd.s32 @!p0 $0x100000, s1;
	[bflag:$0x2] =	sbarrier.arrive $0xFFFF  }
0x6e: {  	[sflag:s0] =	ssyncadd.tile.s32 @!p0 $0x1;
	_ =	shalt  }
.Lfunc_end2:
_tile_overlayer_lowered:
.L_overlay_start_2:
0x6f: {  	(tag) =	ssettag $0x2  }
0x70: {  	s0 =	rddreg [dreg:$0x0];
	s2 =	stileid.u32  }
0x71: {  	s1 =	rddreg [dreg:$0x1];
	p0 =	sne.s32 s2, $0x0  }
0x72: {  	s3 =	rddreg [dreg:$0x2];
	[bflag:$0x3] =	sbarrier.arrive $0xFFFF;
	s2 =	simm.s32 @!p0 $0x1C01  }
0x73: {  	[timem:s3], [sflag:s2] =	dma.local @!p0 [hbm:s0], s1  }
0x74: {  	s0 =	simm.s32 @!p0 $0x1  }
0x75: {  	_ =	swait.ge @!p0 [sflag:s0], s1  }
0x76: {  	s1 =	ssub.s32 @!p0 $0x0, s1;
	[sflag:s0] =	ssyncset.done @!p0 $0x0  }
0x77: {  	[sflag:s0] =	ssyncadd.s32 @!p0 s1  }
0x78: {  	[bflag:$0x3] =	sbarrier.arrive $0xFFFF  }
0x79: {  	_ =	shalt  }

</sc_bundles>
